<compile_context>
chip_gen: v7x
topology: tpu7x:2x2x1
jax: 0.10.2.dev20260603
libtpu: 0.0.44.dev20260713+nightly
codegen_flags: <defaults>
</compile_context>

<pallas_src>
import functools

import jax
import jax.numpy as jnp
from jax import lax
from jax.experimental import pallas as pl
from jax.experimental.pallas import tpu as pltpu
from jax.experimental.pallas import tpu_sc as plsc

B = 128
V = 32768
L = 16
NC = 2
NS = 16
NW = NC * NS
ROWS_PER_W = B // NW
U = 8
CHUNK = U * L
HA = 20480
HB = V - HA
VBLK = 5120
VBLK2 = 4096


def _tc_max_body(x_ref, o_col_ref, acc_ref):
    i = pl.program_id(0)
    m = x_ref[:, 0:128]
    for j in range(1, VBLK // 128):
        m = jnp.maximum(m, x_ref[:, j * 128:(j + 1) * 128])

    @pl.when(i == 0)
    def _():
        acc_ref[...] = m

    @pl.when(i > 0)
    def _():
        acc_ref[...] = jnp.maximum(acc_ref[...], m)

    @pl.when(i == HA // VBLK - 1)
    def _():
        o_col_ref[...] = jnp.max(acc_ref[...], axis=1, keepdims=True)


_tc_row_max = pl.pallas_call(
    _tc_max_body,
    grid=(HA // VBLK,),
    in_specs=[pl.BlockSpec((B, VBLK), lambda i: (0, i))],
    out_specs=pl.BlockSpec((B, 1), lambda i: (0, 0)),
    out_shape=jax.ShapeDtypeStruct((B, 1), jnp.float32),
    scratch_shapes=[pltpu.VMEM((B, 128), jnp.float32)],
)


def _tc_sumexp_body(x_ref, mx_ref, o_ref, acc_ref):
    i = pl.program_id(0)
    mx = mx_ref[...]
    s = jnp.exp(x_ref[:, 0:128] - mx)
    for j in range(1, VBLK2 // 128):
        s = s + jnp.exp(x_ref[:, j * 128:(j + 1) * 128] - mx)

    @pl.when(i == 0)
    def _():
        acc_ref[...] = s

    @pl.when(i > 0)
    def _():
        acc_ref[...] = acc_ref[...] + s

    @pl.when(i == HA // VBLK2 - 1)
    def _():
        o_ref[...] = jnp.sum(acc_ref[...], axis=1, keepdims=True)


_tc_sumexp = pl.pallas_call(
    _tc_sumexp_body,
    grid=(HA // VBLK2,),
    in_specs=[
        pl.BlockSpec((B, VBLK2), lambda i: (0, i)),
        pl.BlockSpec((B, 1), lambda i: (0, 0)),
    ],
    out_specs=pl.BlockSpec((B, 1), lambda i: (0, 0)),
    out_shape=jax.ShapeDtypeStruct((B, 1), jnp.float32),
    scratch_shapes=[pltpu.VMEM((B, 128), jnp.float32)],
)


def _butterfly(v, op):
    lane = lax.iota(jnp.int32, L)
    for k in (8, 4, 2, 1):
        v = op(v, v.at[lane ^ k].get(mode="promise_in_bounds"))
    return v


def _max_accs(buf, base, n, init):

    @plsc.parallel_loop(0, n, CHUNK, unroll=2, carry=init)
    def ms(off, ms):
        return tuple(
            jnp.maximum(ms[u], buf[pl.ds(base + off + u * L, L)])
            for u in range(U)
        )

    return ms


def _sumexp_accs(buf, base, n, row_max, init):

    @plsc.parallel_loop(0, n, CHUNK, unroll=2, carry=init)
    def ss(off, ss):
        return tuple(
            ss[u] + jnp.exp(buf[pl.ds(base + off + u * L, L)] - row_max)
            for u in range(U)
        )

    return ss


def _tree_total(ss, op):
    s = ss[0]
    for u in range(1, U):
        s = op(s, ss[u])
    return _butterfly(s, op)


def _minf_accs():
    return tuple(jnp.full((L,), -jnp.inf, jnp.float32) for _ in range(U))


def _zero_accs():
    return tuple(jnp.zeros((L,), jnp.float32) for _ in range(U))


@functools.partial(
    pl.kernel,
    mesh=plsc.VectorSubcoreMesh(core_axis_name="c", subcore_axis_name="s"),
    out_type=[
        jax.ShapeDtypeStruct((NW, L), jnp.float32),
        jax.ShapeDtypeStruct((NW, L), jnp.float32),
    ],
    scratch_types=[
        pltpu.VMEM((2 * HB,), jnp.float32),
        pltpu.VMEM((L,), jnp.float32),
        pltpu.VMEM((L,), jnp.float32),
        pltpu.SemaphoreType.DMA((4,)),
    ],
)
def _sc_local(x_hbm, s_hbm, m_hbm, buf, s_buf, m_buf, sems):
    cid = lax.axis_index("c")
    sid = lax.axis_index("s")
    wid = sid * NC + cid
    base_row = wid * ROWS_PER_W
    H = HB // 2

    pltpu.make_async_copy(
        x_hbm.at[base_row, pl.ds(HA, H)], buf.at[pl.ds(0, H)], sems.at[2]
    ).start()
    pltpu.make_async_copy(
        x_hbm.at[base_row, pl.ds(HA + H, H)], buf.at[pl.ds(H, H)], sems.at[3]
    ).start()
    pltpu.make_async_copy(
        x_hbm.at[base_row + 1, pl.ds(HA, HB)], buf.at[pl.ds(HB, HB)], sems.at[1]
    ).start()

    lane = lax.iota(jnp.int32, L)

    pltpu.make_async_copy(
        x_hbm.at[base_row, pl.ds(HA, H)], buf.at[pl.ds(0, H)], sems.at[2]
    ).wait()
    mac = _max_accs(buf, 0, H, _minf_accs())
    pltpu.make_async_copy(
        x_hbm.at[base_row, pl.ds(HA + H, H)], buf.at[pl.ds(H, H)], sems.at[3]
    ).wait()
    rm0 = _tree_total(_max_accs(buf, H, H, mac), jnp.maximum)
    s0 = _tree_total(_sumexp_accs(buf, 0, HB, rm0, _zero_accs()), jnp.add)
    zero = jnp.zeros((L,), jnp.float32)
    s_acc = jnp.where(lane == 0, s0, zero)
    m_acc = jnp.where(lane == 0, rm0, zero)

    def row_body(r, carry):
        s_acc, m_acc = carry
        cur = lax.rem(r, 2)
        nxt = lax.rem(r + 1, 2)

        @pl.when(r + 1 < ROWS_PER_W)
        def _():
            pltpu.make_async_copy(
                x_hbm.at[base_row + r + 1, pl.ds(HA, HB)],
                buf.at[pl.ds(nxt * HB, HB)],
                sems.at[nxt],
            ).start()

        pltpu.make_async_copy(
            x_hbm.at[base_row + r, pl.ds(HA, HB)],
            buf.at[pl.ds(cur * HB, HB)],
            sems.at[cur],
        ).wait()

        rm = _tree_total(
            _max_accs(buf, cur * HB, HB, _minf_accs()), jnp.maximum
        )
        s = _tree_total(
            _sumexp_accs(buf, cur * HB, HB, rm, _zero_accs()), jnp.add
        )
        return (
            jnp.where(lane == r, s, s_acc),
            jnp.where(lane == r, rm, m_acc),
        )

    s_acc, m_acc = lax.fori_loop(1, ROWS_PER_W, row_body, (s_acc, m_acc))

    s_buf[...] = s_acc
    m_buf[...] = m_acc
    pltpu.sync_copy(s_buf, s_hbm.at[wid])
    pltpu.sync_copy(m_buf, m_hbm.at[wid])


def kernel(class_t, dom_res):
    s_sc_pad, m_sc_pad = _sc_local(class_t)
    mA = _tc_row_max(class_t)
    sA = _tc_sumexp(class_t, mA)
    sB = s_sc_pad[:, :ROWS_PER_W].reshape(B)
    mB = m_sc_pad[:, :ROWS_PER_W].reshape(B)
    mA = mA.reshape(B)
    sA = sA.reshape(B)
    mm = jnp.maximum(mA, mB)
    return 1.0 / (sA * jnp.exp(mA - mm) + sB * jnp.exp(mB - mm))

# --- scband reference (transcript-rebuilt; emitter-appended) ---
"""Pipeline reference for scband-contrast-re-lu-activate-82643760710418 (READ-ONLY COPY).

The authoritative reference and input builder live on the scoring server;
editing this copy changes nothing except your own understanding.
"""

import jax, jax.numpy as jnp
import numpy as np


def setup_inputs(seed: int = 0) -> dict:
    key = jax.random.key(seed)
    k1, k2 = jax.random.split(key)
    class_t = jax.random.normal(k1, (128, 32768), dtype=jnp.float32)
    dom_res = jax.random.normal(k2, (128, 2), dtype=jnp.float32)
    return {"class_t": class_t, "dom_res": dom_res}


def reference(class_t, dom_res):
    # class_t.squeeze() -> [B, V]; softmax over last dim (legacy torch 2D behavior: dim=1)
    probs = jax.nn.softmax(jnp.squeeze(class_t), axis=-1)
    # torch.topk(probs, 1) along last dim
    top_prob, top_label = jax.lax.top_k(probs, 1)
    confid_rate = jnp.squeeze(top_prob)
    return confid_rate

if __name__ == "__main__":
    import jax
    _d = setup_inputs()
    print(jax.jit(kernel)(*tuple(_d.values())))

</pallas_src>

<mosaic_0001>
#map = affine_map<(d0, d1) -> (0, 0)>
module attributes {stable_mosaic.version = 14 : i64} {
  func.func @_sc_local(%arg0: i32, %arg1: i32, %arg2: memref<128x32768xf32, #tpu.memory_space<hbm>>, %arg3: memref<32x16xf32, #tpu.memory_space<hbm>>, %arg4: memref<32x16xf32, #tpu.memory_space<hbm>>, %arg5: memref<24576xf32, #tpu.memory_space<vmem>>, %arg6: memref<16xf32, #tpu.memory_space<vmem>>, %arg7: memref<16xf32, #tpu.memory_space<vmem>>, %arg8: memref<4x!tpu.dma_semaphore, #tpu.memory_space<semaphore_mem>>) attributes {dimension_semantics = [#tpu.dimension_semantics<core_parallel>, #tpu.dimension_semantics<subcore_parallel>], iteration_bounds = array<i64: 2, 16>, scalar_prefetch = 0 : i64, scratch_operands = 4 : i64, tpu.core_type = #tpu.core_type<sc_vector_subcore>, window_params = [{transform_indices = #map}, {transform_indices = #map}, {transform_indices = #map}]} {
    %mul3A = arith.constant 2 : i32
    %mul3A_0 = arith.muli %arg1, %mul3A : i32
    %add3A = arith.addi %mul3A_0, %arg0 : i32
    %mul3A_1 = arith.constant 4 : i32
    %mul3A_2 = arith.muli %add3A, %mul3A_1 : i32
    %dma_start3A = arith.constant 2 : i32
    %dma_start3A_3 = arith.constant 0 : i32
    %dma_start3A_4 = tpu.memref_slice %arg5[%dma_start3A_3] : memref<24576xf32, #tpu.memory_space<vmem>> -> memref<6144xf32, #tpu.memory_space<vmem>>
    %dma_start3A_5 = arith.constant 20480 : i32
    %dma_start3A_6 = tpu.memref_slice %arg2[%mul3A_2, %dma_start3A_5] : memref<128x32768xf32, #tpu.memory_space<hbm>> -> memref<1x6144xf32, #tpu.memory_space<hbm>>
    %dma_start3A_7 = tpu.memref_squeeze %dma_start3A_6 : memref<1x6144xf32, #tpu.memory_space<hbm>> -> memref<6144xf32, #tpu.memory_space<hbm>>
    %dma_start3A_8 = tpu.memref_slice %arg8[%dma_start3A] : memref<4x!tpu.dma_semaphore, #tpu.memory_space<semaphore_mem>> -> memref<1x!tpu.dma_semaphore, #tpu.memory_space<semaphore_mem>>
    %dma_start3A_9 = tpu.memref_squeeze %dma_start3A_8 : memref<1x!tpu.dma_semaphore, #tpu.memory_space<semaphore_mem>> -> memref<!tpu.dma_semaphore, #tpu.memory_space<semaphore_mem>>
    %dma_start3A_10 = arith.constant 0 : i32
    %dma_start3A_11 = tpu.memref_slice %arg5[%dma_start3A_10] : memref<24576xf32, #tpu.memory_space<vmem>> -> memref<6144xf32, #tpu.memory_space<vmem>>
    %dma_start3A_12 = arith.constant 20480 : i32
    %dma_start3A_13 = tpu.memref_slice %arg2[%mul3A_2, %dma_start3A_12] : memref<128x32768xf32, #tpu.memory_space<hbm>> -> memref<1x6144xf32, #tpu.memory_space<hbm>>
    %dma_start3A_14 = tpu.memref_squeeze %dma_start3A_13 : memref<1x6144xf32, #tpu.memory_space<hbm>> -> memref<6144xf32, #tpu.memory_space<hbm>>
    tpu.enqueue_dma source(%dma_start3A_14 : memref<6144xf32, #tpu.memory_space<hbm>>) target(%dma_start3A_11 : memref<6144xf32, #tpu.memory_space<vmem>>) target_semaphore(%dma_start3A_9 : memref<!tpu.dma_semaphore, #tpu.memory_space<semaphore_mem>>)
    %dma_start3A_15 = arith.constant 3 : i32
    %dma_start3A_16 = arith.constant 6144 : i32
    %dma_start3A_17 = tpu.memref_slice %arg5[%dma_start3A_16] : memref<24576xf32, #tpu.memory_space<vmem>> -> memref<6144xf32, #tpu.memory_space<vmem>>
    %dma_start3A_18 = arith.constant 26624 : i32
    %dma_start3A_19 = tpu.memref_slice %arg2[%mul3A_2, %dma_start3A_18] : memref<128x32768xf32, #tpu.memory_space<hbm>> -> memref<1x6144xf32, #tpu.memory_space<hbm>>
    %dma_start3A_20 = tpu.memref_squeeze %dma_start3A_19 : memref<1x6144xf32, #tpu.memory_space<hbm>> -> memref<6144xf32, #tpu.memory_space<hbm>>
    %dma_start3A_21 = tpu.memref_slice %arg8[%dma_start3A_15] : memref<4x!tpu.dma_semaphore, #tpu.memory_space<semaphore_mem>> -> memref<1x!tpu.dma_semaphore, #tpu.memory_space<semaphore_mem>>
    %dma_start3A_22 = tpu.memref_squeeze %dma_start3A_21 : memref<1x!tpu.dma_semaphore, #tpu.memory_space<semaphore_mem>> -> memref<!tpu.dma_semaphore, #tpu.memory_space<semaphore_mem>>
    %dma_start3A_23 = arith.constant 6144 : i32
    %dma_start3A_24 = tpu.memref_slice %arg5[%dma_start3A_23] : memref<24576xf32, #tpu.memory_space<vmem>> -> memref<6144xf32, #tpu.memory_space<vmem>>
    %dma_start3A_25 = arith.constant 26624 : i32
    %dma_start3A_26 = tpu.memref_slice %arg2[%mul3A_2, %dma_start3A_25] : memref<128x32768xf32, #tpu.memory_space<hbm>> -> memref<1x6144xf32, #tpu.memory_space<hbm>>
    %dma_start3A_27 = tpu.memref_squeeze %dma_start3A_26 : memref<1x6144xf32, #tpu.memory_space<hbm>> -> memref<6144xf32, #tpu.memory_space<hbm>>
    tpu.enqueue_dma source(%dma_start3A_27 : memref<6144xf32, #tpu.memory_space<hbm>>) target(%dma_start3A_24 : memref<6144xf32, #tpu.memory_space<vmem>>) target_semaphore(%dma_start3A_22 : memref<!tpu.dma_semaphore, #tpu.memory_space<semaphore_mem>>)
    %add3A_28 = arith.constant 1 : i32
    %add3A_29 = arith.addi %mul3A_2, %add3A_28 : i32
    %dma_start3A_30 = arith.constant 1 : i32
    %dma_start3A_31 = arith.constant 12288 : i32
    %dma_start3A_32 = tpu.memref_slice %arg5[%dma_start3A_31] : memref<24576xf32, #tpu.memory_space<vmem>> -> memref<12288xf32, #tpu.memory_space<vmem>>
    %dma_start3A_33 = arith.constant 20480 : i32
    %dma_start3A_34 = tpu.memref_slice %arg2[%add3A_29, %dma_start3A_33] : memref<128x32768xf32, #tpu.memory_space<hbm>> -> memref<1x12288xf32, #tpu.memory_space<hbm>>
    %dma_start3A_35 = tpu.memref_squeeze %dma_start3A_34 : memref<1x12288xf32, #tpu.memory_space<hbm>> -> memref<12288xf32, #tpu.memory_space<hbm>>
    %dma_start3A_36 = tpu.memref_slice %arg8[%dma_start3A_30] : memref<4x!tpu.dma_semaphore, #tpu.memory_space<semaphore_mem>> -> memref<1x!tpu.dma_semaphore, #tpu.memory_space<semaphore_mem>>
    %dma_start3A_37 = tpu.memref_squeeze %dma_start3A_36 : memref<1x!tpu.dma_semaphore, #tpu.memory_space<semaphore_mem>> -> memref<!tpu.dma_semaphore, #tpu.memory_space<semaphore_mem>>
    %dma_start3A_38 = arith.constant 12288 : i32
    %dma_start3A_39 = tpu.memref_slice %arg5[%dma_start3A_38] : memref<24576xf32, #tpu.memory_space<vmem>> -> memref<12288xf32, #tpu.memory_space<vmem>>
    %dma_start3A_40 = arith.constant 20480 : i32
    %dma_start3A_41 = tpu.memref_slice %arg2[%add3A_29, %dma_start3A_40] : memref<128x32768xf32, #tpu.memory_space<hbm>> -> memref<1x12288xf32, #tpu.memory_space<hbm>>
    %dma_start3A_42 = tpu.memref_squeeze %dma_start3A_41 : memref<1x12288xf32, #tpu.memory_space<hbm>> -> memref<12288xf32, #tpu.memory_space<hbm>>
    tpu.enqueue_dma source(%dma_start3A_42 : memref<12288xf32, #tpu.memory_space<hbm>>) target(%dma_start3A_39 : memref<12288xf32, #tpu.memory_space<vmem>>) target_semaphore(%dma_start3A_37 : memref<!tpu.dma_semaphore, #tpu.memory_space<semaphore_mem>>)
    %iota3A = tpu.iota {dimensions = array<i32: 0>} : vector<16xi32>
    %dma_wait3A = arith.constant 2 : i32
    %dma_wait3A_43 = arith.constant 0 : i32
    %dma_wait3A_44 = tpu.memref_slice %arg5[%dma_wait3A_43] : memref<24576xf32, #tpu.memory_space<vmem>> -> memref<6144xf32, #tpu.memory_space<vmem>>
    %dma_wait3A_45 = arith.constant 20480 : i32
    %dma_wait3A_46 = tpu.memref_slice %arg2[%mul3A_2, %dma_wait3A_45] : memref<128x32768xf32, #tpu.memory_space<hbm>> -> memref<1x6144xf32, #tpu.memory_space<hbm>>
    %dma_wait3A_47 = tpu.memref_squeeze %dma_wait3A_46 : memref<1x6144xf32, #tpu.memory_space<hbm>> -> memref<6144xf32, #tpu.memory_space<hbm>>
    %dma_wait3A_48 = tpu.memref_slice %arg8[%dma_wait3A] : memref<4x!tpu.dma_semaphore, #tpu.memory_space<semaphore_mem>> -> memref<1x!tpu.dma_semaphore, #tpu.memory_space<semaphore_mem>>
    %dma_wait3A_49 = tpu.memref_squeeze %dma_wait3A_48 : memref<1x!tpu.dma_semaphore, #tpu.memory_space<semaphore_mem>> -> memref<!tpu.dma_semaphore, #tpu.memory_space<semaphore_mem>>
    %dma_wait3A_50 = arith.constant 0 : i32
    %dma_wait3A_51 = tpu.memref_slice %arg5[%dma_wait3A_50] : memref<24576xf32, #tpu.memory_space<vmem>> -> memref<6144xf32, #tpu.memory_space<vmem>>
    %dma_wait3A_52 = arith.constant 20480 : i32
    %dma_wait3A_53 = tpu.memref_slice %arg2[%mul3A_2, %dma_wait3A_52] : memref<128x32768xf32, #tpu.memory_space<hbm>> -> memref<1x6144xf32, #tpu.memory_space<hbm>>
    %dma_wait3A_54 = tpu.memref_squeeze %dma_wait3A_53 : memref<1x6144xf32, #tpu.memory_space<hbm>> -> memref<6144xf32, #tpu.memory_space<hbm>>
    tpu.wait_dma2 semaphore(%dma_wait3A_49 : memref<!tpu.dma_semaphore, #tpu.memory_space<semaphore_mem>>) src(%dma_wait3A_54 : memref<6144xf32, #tpu.memory_space<hbm>>) dst(%dma_wait3A_51 : memref<6144xf32, #tpu.memory_space<vmem>>)
    %broadcast_in_dim3A = arith.constant 0xFF800000 : f32
    %broadcast_in_dim3A_55 = vector.broadcast %broadcast_in_dim3A : f32 to vector<16xf32>
    %broadcast_in_dim3A_56 = arith.constant 0xFF800000 : f32
    %broadcast_in_dim3A_57 = vector.broadcast %broadcast_in_dim3A_56 : f32 to vector<16xf32>
    %broadcast_in_dim3A_58 = arith.constant 0xFF800000 : f32
    %broadcast_in_dim3A_59 = vector.broadcast %broadcast_in_dim3A_58 : f32 to vector<16xf32>
    %broadcast_in_dim3A_60 = arith.constant 0xFF800000 : f32
    %broadcast_in_dim3A_61 = vector.broadcast %broadcast_in_dim3A_60 : f32 to vector<16xf32>
    %broadcast_in_dim3A_62 = arith.constant 0xFF800000 : f32
    %broadcast_in_dim3A_63 = vector.broadcast %broadcast_in_dim3A_62 : f32 to vector<16xf32>
    %broadcast_in_dim3A_64 = arith.constant 0xFF800000 : f32
    %broadcast_in_dim3A_65 = vector.broadcast %broadcast_in_dim3A_64 : f32 to vector<16xf32>
    %broadcast_in_dim3A_66 = arith.constant 0xFF800000 : f32
    %broadcast_in_dim3A_67 = vector.broadcast %broadcast_in_dim3A_66 : f32 to vector<16xf32>
    %broadcast_in_dim3A_68 = arith.constant 0xFF800000 : f32
    %broadcast_in_dim3A_69 = vector.broadcast %broadcast_in_dim3A_68 : f32 to vector<16xf32>
    %parallel_loop3A = arith.constant 0 : i32
    %parallel_loop3A_70 = arith.constant 6144 : i32
    %parallel_loop3A_71 = arith.constant 128 : i32
    %parallel_loop3A_72:8 = scf.for %parallel_loop3A_254 = %parallel_loop3A to %parallel_loop3A_70 step %parallel_loop3A_71 iter_args(%parallel_loop3A_255 = %broadcast_in_dim3A_55, %parallel_loop3A_256 = %broadcast_in_dim3A_57, %parallel_loop3A_257 = %broadcast_in_dim3A_59, %parallel_loop3A_258 = %broadcast_in_dim3A_61, %parallel_loop3A_259 = %broadcast_in_dim3A_63, %parallel_loop3A_260 = %broadcast_in_dim3A_65, %parallel_loop3A_261 = %broadcast_in_dim3A_67, %parallel_loop3A_262 = %broadcast_in_dim3A_69) -> (vector<16xf32>, vector<16xf32>, vector<16xf32>, vector<16xf32>, vector<16xf32>, vector<16xf32>, vector<16xf32>, vector<16xf32>)  : i32 {
      %parallel_loop3A_263 = arith.constant 0 : i32
      %parallel_loop3A_264 = arith.addi %parallel_loop3A_263, %parallel_loop3A_254 : i32
      %parallel_loop3A_265 = arith.constant 0 : i32
      %parallel_loop3A_266 = arith.addi %parallel_loop3A_264, %parallel_loop3A_265 : i32
      %parallel_loop3A_267 = arith.index_cast %parallel_loop3A_266 : i32 to index
      %parallel_loop3A_268 = tpu.vector_load %arg5[%parallel_loop3A_267] {strides = array<i32>} : memref<24576xf32, #tpu.memory_space<vmem>>, vector<16xf32>,
      %parallel_loop3A_269 = vector.shape_cast %parallel_loop3A_268 : vector<16xf32> to vector<16xf32>
      %parallel_loop3A_270 = arith.maximumf %parallel_loop3A_255, %parallel_loop3A_269 : vector<16xf32>
      %parallel_loop3A_271 = arith.constant 0 : i32
      %parallel_loop3A_272 = arith.addi %parallel_loop3A_271, %parallel_loop3A_254 : i32
      %parallel_loop3A_273 = arith.constant 16 : i32
      %parallel_loop3A_274 = arith.addi %parallel_loop3A_272, %parallel_loop3A_273 : i32
      %parallel_loop3A_275 = arith.index_cast %parallel_loop3A_274 : i32 to index
      %parallel_loop3A_276 = tpu.vector_load %arg5[%parallel_loop3A_275] {strides = array<i32>} : memref<24576xf32, #tpu.memory_space<vmem>>, vector<16xf32>,
      %parallel_loop3A_277 = vector.shape_cast %parallel_loop3A_276 : vector<16xf32> to vector<16xf32>
      %parallel_loop3A_278 = arith.maximumf %parallel_loop3A_256, %parallel_loop3A_277 : vector<16xf32>
      %parallel_loop3A_279 = arith.constant 0 : i32
      %parallel_loop3A_280 = arith.addi %parallel_loop3A_279, %parallel_loop3A_254 : i32
      %parallel_loop3A_281 = arith.constant 32 : i32
      %parallel_loop3A_282 = arith.addi %parallel_loop3A_280, %parallel_loop3A_281 : i32
      %parallel_loop3A_283 = arith.index_cast %parallel_loop3A_282 : i32 to index
      %parallel_loop3A_284 = tpu.vector_load %arg5[%parallel_loop3A_283] {strides = array<i32>} : memref<24576xf32, #tpu.memory_space<vmem>>, vector<16xf32>,
      %parallel_loop3A_285 = vector.shape_cast %parallel_loop3A_284 : vector<16xf32> to vector<16xf32>
      %parallel_loop3A_286 = arith.maximumf %parallel_loop3A_257, %parallel_loop3A_285 : vector<16xf32>
      %parallel_loop3A_287 = arith.constant 0 : i32
      %parallel_loop3A_288 = arith.addi %parallel_loop3A_287, %parallel_loop3A_254 : i32
      %parallel_loop3A_289 = arith.constant 48 : i32
      %parallel_loop3A_290 = arith.addi %parallel_loop3A_288, %parallel_loop3A_289 : i32
      %parallel_loop3A_291 = arith.index_cast %parallel_loop3A_290 : i32 to index
      %parallel_loop3A_292 = tpu.vector_load %arg5[%parallel_loop3A_291] {strides = array<i32>} : memref<24576xf32, #tpu.memory_space<vmem>>, vector<16xf32>,
      %parallel_loop3A_293 = vector.shape_cast %parallel_loop3A_292 : vector<16xf32> to vector<16xf32>
      %parallel_loop3A_294 = arith.maximumf %parallel_loop3A_258, %parallel_loop3A_293 : vector<16xf32>
      %parallel_loop3A_295 = arith.constant 0 : i32
      %parallel_loop3A_296 = arith.addi %parallel_loop3A_295, %parallel_loop3A_254 : i32
      %parallel_loop3A_297 = arith.constant 64 : i32
      %parallel_loop3A_298 = arith.addi %parallel_loop3A_296, %parallel_loop3A_297 : i32
      %parallel_loop3A_299 = arith.index_cast %parallel_loop3A_298 : i32 to index
      %parallel_loop3A_300 = tpu.vector_load %arg5[%parallel_loop3A_299] {strides = array<i32>} : memref<24576xf32, #tpu.memory_space<vmem>>, vector<16xf32>,
      %parallel_loop3A_301 = vector.shape_cast %parallel_loop3A_300 : vector<16xf32> to vector<16xf32>
      %parallel_loop3A_302 = arith.maximumf %parallel_loop3A_259, %parallel_loop3A_301 : vector<16xf32>
      %parallel_loop3A_303 = arith.constant 0 : i32
      %parallel_loop3A_304 = arith.addi %parallel_loop3A_303, %parallel_loop3A_254 : i32
      %parallel_loop3A_305 = arith.constant 80 : i32
      %parallel_loop3A_306 = arith.addi %parallel_loop3A_304, %parallel_loop3A_305 : i32
      %parallel_loop3A_307 = arith.index_cast %parallel_loop3A_306 : i32 to index
      %parallel_loop3A_308 = tpu.vector_load %arg5[%parallel_loop3A_307] {strides = array<i32>} : memref<24576xf32, #tpu.memory_space<vmem>>, vector<16xf32>,
      %parallel_loop3A_309 = vector.shape_cast %parallel_loop3A_308 : vector<16xf32> to vector<16xf32>
      %parallel_loop3A_310 = arith.maximumf %parallel_loop3A_260, %parallel_loop3A_309 : vector<16xf32>
      %parallel_loop3A_311 = arith.constant 0 : i32
      %parallel_loop3A_312 = arith.addi %parallel_loop3A_311, %parallel_loop3A_254 : i32
      %parallel_loop3A_313 = arith.constant 96 : i32
      %parallel_loop3A_314 = arith.addi %parallel_loop3A_312, %parallel_loop3A_313 : i32
      %parallel_loop3A_315 = arith.index_cast %parallel_loop3A_314 : i32 to index
      %parallel_loop3A_316 = tpu.vector_load %arg5[%parallel_loop3A_315] {strides = array<i32>} : memref<24576xf32, #tpu.memory_space<vmem>>, vector<16xf32>,
      %parallel_loop3A_317 = vector.shape_cast %parallel_loop3A_316 : vector<16xf32> to vector<16xf32>
      %parallel_loop3A_318 = arith.maximumf %parallel_loop3A_261, %parallel_loop3A_317 : vector<16xf32>
      %parallel_loop3A_319 = arith.constant 0 : i32
      %parallel_loop3A_320 = arith.addi %parallel_loop3A_319, %parallel_loop3A_254 : i32
      %parallel_loop3A_321 = arith.constant 112 : i32
      %parallel_loop3A_322 = arith.addi %parallel_loop3A_320, %parallel_loop3A_321 : i32
      %parallel_loop3A_323 = arith.index_cast %parallel_loop3A_322 : i32 to index
      %parallel_loop3A_324 = tpu.vector_load %arg5[%parallel_loop3A_323] {strides = array<i32>} : memref<24576xf32, #tpu.memory_space<vmem>>, vector<16xf32>,
      %parallel_loop3A_325 = vector.shape_cast %parallel_loop3A_324 : vector<16xf32> to vector<16xf32>
      %parallel_loop3A_326 = arith.maximumf %parallel_loop3A_262, %parallel_loop3A_325 : vector<16xf32>
      scf.yield %parallel_loop3A_270, %parallel_loop3A_278, %parallel_loop3A_286, %parallel_loop3A_294, %parallel_loop3A_302, %parallel_loop3A_310, %parallel_loop3A_318, %parallel_loop3A_326 : vector<16xf32>, vector<16xf32>, vector<16xf32>, vector<16xf32>, vector<16xf32>, vector<16xf32>, vector<16xf32>, vector<16xf32>
    } {sc.loop_unroll_factor = 2 : i64, sc.parallel_access}
    %dma_wait3A_73 = arith.constant 3 : i32
    %dma_wait3A_74 = arith.constant 6144 : i32
    %dma_wait3A_75 = tpu.memref_slice %arg5[%dma_wait3A_74] : memref<24576xf32, #tpu.memory_space<vmem>> -> memref<6144xf32, #tpu.memory_space<vmem>>
    %dma_wait3A_76 = arith.constant 26624 : i32
    %dma_wait3A_77 = tpu.memref_slice %arg2[%mul3A_2, %dma_wait3A_76] : memref<128x32768xf32, #tpu.memory_space<hbm>> -> memref<1x6144xf32, #tpu.memory_space<hbm>>
    %dma_wait3A_78 = tpu.memref_squeeze %dma_wait3A_77 : memref<1x6144xf32, #tpu.memory_space<hbm>> -> memref<6144xf32, #tpu.memory_space<hbm>>
    %dma_wait3A_79 = tpu.memref_slice %arg8[%dma_wait3A_73] : memref<4x!tpu.dma_semaphore, #tpu.memory_space<semaphore_mem>> -> memref<1x!tpu.dma_semaphore, #tpu.memory_space<semaphore_mem>>
    %dma_wait3A_80 = tpu.memref_squeeze %dma_wait3A_79 : memref<1x!tpu.dma_semaphore, #tpu.memory_space<semaphore_mem>> -> memref<!tpu.dma_semaphore, #tpu.memory_space<semaphore_mem>>
    %dma_wait3A_81 = arith.constant 6144 : i32
    %dma_wait3A_82 = tpu.memref_slice %arg5[%dma_wait3A_81] : memref<24576xf32, #tpu.memory_space<vmem>> -> memref<6144xf32, #tpu.memory_space<vmem>>
    %dma_wait3A_83 = arith.constant 26624 : i32
    %dma_wait3A_84 = tpu.memref_slice %arg2[%mul3A_2, %dma_wait3A_83] : memref<128x32768xf32, #tpu.memory_space<hbm>> -> memref<1x6144xf32, #tpu.memory_space<hbm>>
    %dma_wait3A_85 = tpu.memref_squeeze %dma_wait3A_84 : memref<1x6144xf32, #tpu.memory_space<hbm>> -> memref<6144xf32, #tpu.memory_space<hbm>>
    tpu.wait_dma2 semaphore(%dma_wait3A_80 : memref<!tpu.dma_semaphore, #tpu.memory_space<semaphore_mem>>) src(%dma_wait3A_85 : memref<6144xf32, #tpu.memory_space<hbm>>) dst(%dma_wait3A_82 : memref<6144xf32, #tpu.memory_space<vmem>>)
    %parallel_loop3A_86 = arith.constant 0 : i32
    %parallel_loop3A_87 = arith.constant 6144 : i32
    %parallel_loop3A_88 = arith.constant 128 : i32
    %parallel_loop3A_89:8 = scf.for %parallel_loop3A_254 = %parallel_loop3A_86 to %parallel_loop3A_87 step %parallel_loop3A_88 iter_args(%parallel_loop3A_255 = %parallel_loop3A_72#0, %parallel_loop3A_256 = %parallel_loop3A_72#1, %parallel_loop3A_257 = %parallel_loop3A_72#2, %parallel_loop3A_258 = %parallel_loop3A_72#3, %parallel_loop3A_259 = %parallel_loop3A_72#4, %parallel_loop3A_260 = %parallel_loop3A_72#5, %parallel_loop3A_261 = %parallel_loop3A_72#6, %parallel_loop3A_262 = %parallel_loop3A_72#7) -> (vector<16xf32>, vector<16xf32>, vector<16xf32>, vector<16xf32>, vector<16xf32>, vector<16xf32>, vector<16xf32>, vector<16xf32>)  : i32 {
      %parallel_loop3A_263 = arith.constant 6144 : i32
      %parallel_loop3A_264 = arith.addi %parallel_loop3A_263, %parallel_loop3A_254 : i32
      %parallel_loop3A_265 = arith.constant 0 : i32
      %parallel_loop3A_266 = arith.addi %parallel_loop3A_264, %parallel_loop3A_265 : i32
      %parallel_loop3A_267 = arith.index_cast %parallel_loop3A_266 : i32 to index
      %parallel_loop3A_268 = tpu.vector_load %arg5[%parallel_loop3A_267] {strides = array<i32>} : memref<24576xf32, #tpu.memory_space<vmem>>, vector<16xf32>,
      %parallel_loop3A_269 = vector.shape_cast %parallel_loop3A_268 : vector<16xf32> to vector<16xf32>
      %parallel_loop3A_270 = arith.maximumf %parallel_loop3A_255, %parallel_loop3A_269 : vector<16xf32>
      %parallel_loop3A_271 = arith.constant 6144 : i32
      %parallel_loop3A_272 = arith.addi %parallel_loop3A_271, %parallel_loop3A_254 : i32
      %parallel_loop3A_273 = arith.constant 16 : i32
      %parallel_loop3A_274 = arith.addi %parallel_loop3A_272, %parallel_loop3A_273 : i32
      %parallel_loop3A_275 = arith.index_cast %parallel_loop3A_274 : i32 to index
      %parallel_loop3A_276 = tpu.vector_load %arg5[%parallel_loop3A_275] {strides = array<i32>} : memref<24576xf32, #tpu.memory_space<vmem>>, vector<16xf32>,
      %parallel_loop3A_277 = vector.shape_cast %parallel_loop3A_276 : vector<16xf32> to vector<16xf32>
      %parallel_loop3A_278 = arith.maximumf %parallel_loop3A_256, %parallel_loop3A_277 : vector<16xf32>
      %parallel_loop3A_279 = arith.constant 6144 : i32
      %parallel_loop3A_280 = arith.addi %parallel_loop3A_279, %parallel_loop3A_254 : i32
      %parallel_loop3A_281 = arith.constant 32 : i32
      %parallel_loop3A_282 = arith.addi %parallel_loop3A_280, %parallel_loop3A_281 : i32
      %parallel_loop3A_283 = arith.index_cast %parallel_loop3A_282 : i32 to index
      %parallel_loop3A_284 = tpu.vector_load %arg5[%parallel_loop3A_283] {strides = array<i32>} : memref<24576xf32, #tpu.memory_space<vmem>>, vector<16xf32>,
      %parallel_loop3A_285 = vector.shape_cast %parallel_loop3A_284 : vector<16xf32> to vector<16xf32>
      %parallel_loop3A_286 = arith.maximumf %parallel_loop3A_257, %parallel_loop3A_285 : vector<16xf32>
      %parallel_loop3A_287 = arith.constant 6144 : i32
      %parallel_loop3A_288 = arith.addi %parallel_loop3A_287, %parallel_loop3A_254 : i32
      %parallel_loop3A_289 = arith.constant 48 : i32
      %parallel_loop3A_290 = arith.addi %parallel_loop3A_288, %parallel_loop3A_289 : i32
      %parallel_loop3A_291 = arith.index_cast %parallel_loop3A_290 : i32 to index
      %parallel_loop3A_292 = tpu.vector_load %arg5[%parallel_loop3A_291] {strides = array<i32>} : memref<24576xf32, #tpu.memory_space<vmem>>, vector<16xf32>,
      %parallel_loop3A_293 = vector.shape_cast %parallel_loop3A_292 : vector<16xf32> to vector<16xf32>
      %parallel_loop3A_294 = arith.maximumf %parallel_loop3A_258, %parallel_loop3A_293 : vector<16xf32>
      %parallel_loop3A_295 = arith.constant 6144 : i32
      %parallel_loop3A_296 = arith.addi %parallel_loop3A_295, %parallel_loop3A_254 : i32
      %parallel_loop3A_297 = arith.constant 64 : i32
      %parallel_loop3A_298 = arith.addi %parallel_loop3A_296, %parallel_loop3A_297 : i32
      %parallel_loop3A_299 = arith.index_cast %parallel_loop3A_298 : i32 to index
      %parallel_loop3A_300 = tpu.vector_load %arg5[%parallel_loop3A_299] {strides = array<i32>} : memref<24576xf32, #tpu.memory_space<vmem>>, vector<16xf32>,
      %parallel_loop3A_301 = vector.shape_cast %parallel_loop3A_300 : vector<16xf32> to vector<16xf32>
      %parallel_loop3A_302 = arith.maximumf %parallel_loop3A_259, %parallel_loop3A_301 : vector<16xf32>
      %parallel_loop3A_303 = arith.constant 6144 : i32
      %parallel_loop3A_304 = arith.addi %parallel_loop3A_303, %parallel_loop3A_254 : i32
      %parallel_loop3A_305 = arith.constant 80 : i32
      %parallel_loop3A_306 = arith.addi %parallel_loop3A_304, %parallel_loop3A_305 : i32
      %parallel_loop3A_307 = arith.index_cast %parallel_loop3A_306 : i32 to index
      %parallel_loop3A_308 = tpu.vector_load %arg5[%parallel_loop3A_307] {strides = array<i32>} : memref<24576xf32, #tpu.memory_space<vmem>>, vector<16xf32>,
      %parallel_loop3A_309 = vector.shape_cast %parallel_loop3A_308 : vector<16xf32> to vector<16xf32>
      %parallel_loop3A_310 = arith.maximumf %parallel_loop3A_260, %parallel_loop3A_309 : vector<16xf32>
      %parallel_loop3A_311 = arith.constant 6144 : i32
      %parallel_loop3A_312 = arith.addi %parallel_loop3A_311, %parallel_loop3A_254 : i32
      %parallel_loop3A_313 = arith.constant 96 : i32
      %parallel_loop3A_314 = arith.addi %parallel_loop3A_312, %parallel_loop3A_313 : i32
      %parallel_loop3A_315 = arith.index_cast %parallel_loop3A_314 : i32 to index
      %parallel_loop3A_316 = tpu.vector_load %arg5[%parallel_loop3A_315] {strides = array<i32>} : memref<24576xf32, #tpu.memory_space<vmem>>, vector<16xf32>,
      %parallel_loop3A_317 = vector.shape_cast %parallel_loop3A_316 : vector<16xf32> to vector<16xf32>
      %parallel_loop3A_318 = arith.maximumf %parallel_loop3A_261, %parallel_loop3A_317 : vector<16xf32>
      %parallel_loop3A_319 = arith.constant 6144 : i32
      %parallel_loop3A_320 = arith.addi %parallel_loop3A_319, %parallel_loop3A_254 : i32
      %parallel_loop3A_321 = arith.constant 112 : i32
      %parallel_loop3A_322 = arith.addi %parallel_loop3A_320, %parallel_loop3A_321 : i32
      %parallel_loop3A_323 = arith.index_cast %parallel_loop3A_322 : i32 to index
      %parallel_loop3A_324 = tpu.vector_load %arg5[%parallel_loop3A_323] {strides = array<i32>} : memref<24576xf32, #tpu.memory_space<vmem>>, vector<16xf32>,
      %parallel_loop3A_325 = vector.shape_cast %parallel_loop3A_324 : vector<16xf32> to vector<16xf32>
      %parallel_loop3A_326 = arith.maximumf %parallel_loop3A_262, %parallel_loop3A_325 : vector<16xf32>
      scf.yield %parallel_loop3A_270, %parallel_loop3A_278, %parallel_loop3A_286, %parallel_loop3A_294, %parallel_loop3A_302, %parallel_loop3A_310, %parallel_loop3A_318, %parallel_loop3A_326 : vector<16xf32>, vector<16xf32>, vector<16xf32>, vector<16xf32>, vector<16xf32>, vector<16xf32>, vector<16xf32>, vector<16xf32>
    } {sc.loop_unroll_factor = 2 : i64, sc.parallel_access}
    %max3A = arith.maximumf %parallel_loop3A_89#0, %parallel_loop3A_89#1 : vector<16xf32>
    %max3A_90 = arith.maximumf %max3A, %parallel_loop3A_89#2 : vector<16xf32>
    %max3A_91 = arith.maximumf %max3A_90, %parallel_loop3A_89#3 : vector<16xf32>
    %max3A_92 = arith.maximumf %max3A_91, %parallel_loop3A_89#4 : vector<16xf32>
    %max3A_93 = arith.maximumf %max3A_92, %parallel_loop3A_89#5 : vector<16xf32>
    %max3A_94 = arith.maximumf %max3A_93, %parallel_loop3A_89#6 : vector<16xf32>
    %max3A_95 = arith.maximumf %max3A_94, %parallel_loop3A_89#7 : vector<16xf32>
    %iota3A_96 = tpu.iota {dimensions = array<i32: 0>} : vector<16xi32>
    %xor3A = arith.constant 8 : i32
    %xor3A_97 = vector.broadcast %xor3A : i32 to vector<16xi32>
    %xor3A_98 = arith.xori %iota3A_96, %xor3A_97 : vector<16xi32>
    %lt3A = arith.constant 0 : i32
    %lt3A_99 = vector.broadcast %lt3A : i32 to vector<16xi32>
    %lt3A_100 = arith.cmpi slt, %xor3A_98, %lt3A_99 : vector<16xi32>
    %add3A_101 = arith.constant 16 : i32
    %add3A_102 = vector.broadcast %add3A_101 : i32 to vector<16xi32>
    %add3A_103 = arith.addi %xor3A_98, %add3A_102 : vector<16xi32>
    %select_n3A = arith.select %lt3A_100, %add3A_103, %xor3A_98 : vector<16xi1>, vector<16xi32>
    %broadcast_in_dim3A_104 = vector.shape_cast %select_n3A : vector<16xi32> to vector<16x1xi32>
    %gather3A = vector.shape_cast %broadcast_in_dim3A_104 : vector<16x1xi32> to vector<16xi32>
    %gather3A_105 = tpu.dynamic_gather %max3A_95[%gather3A] in [0] : vector<16xf32>, vector<16xi32> -> vector<16xf32>
    %max3A_106 = arith.maximumf %max3A_95, %gather3A_105 : vector<16xf32>
    %xor3A_107 = arith.constant 4 : i32
    %xor3A_108 = vector.broadcast %xor3A_107 : i32 to vector<16xi32>
    %xor3A_109 = arith.xori %iota3A_96, %xor3A_108 : vector<16xi32>
    %lt3A_110 = arith.constant 0 : i32
    %lt3A_111 = vector.broadcast %lt3A_110 : i32 to vector<16xi32>
    %lt3A_112 = arith.cmpi slt, %xor3A_109, %lt3A_111 : vector<16xi32>
    %add3A_113 = arith.constant 16 : i32
    %add3A_114 = vector.broadcast %add3A_113 : i32 to vector<16xi32>
    %add3A_115 = arith.addi %xor3A_109, %add3A_114 : vector<16xi32>
    %select_n3A_116 = arith.select %lt3A_112, %add3A_115, %xor3A_109 : vector<16xi1>, vector<16xi32>
    %broadcast_in_dim3A_117 = vector.shape_cast %select_n3A_116 : vector<16xi32> to vector<16x1xi32>
    %gather3A_118 = vector.shape_cast %broadcast_in_dim3A_117 : vector<16x1xi32> to vector<16xi32>
    %gather3A_119 = tpu.dynamic_gather %max3A_106[%gather3A_118] in [0] : vector<16xf32>, vector<16xi32> -> vector<16xf32>
    %max3A_120 = arith.maximumf %max3A_106, %gather3A_119 : vector<16xf32>
    %xor3A_121 = arith.constant 2 : i32
    %xor3A_122 = vector.broadcast %xor3A_121 : i32 to vector<16xi32>
    %xor3A_123 = arith.xori %iota3A_96, %xor3A_122 : vector<16xi32>
    %lt3A_124 = arith.constant 0 : i32
    %lt3A_125 = vector.broadcast %lt3A_124 : i32 to vector<16xi32>
    %lt3A_126 = arith.cmpi slt, %xor3A_123, %lt3A_125 : vector<16xi32>
    %add3A_127 = arith.constant 16 : i32
    %add3A_128 = vector.broadcast %add3A_127 : i32 to vector<16xi32>
    %add3A_129 = arith.addi %xor3A_123, %add3A_128 : vector<16xi32>
    %select_n3A_130 = arith.select %lt3A_126, %add3A_129, %xor3A_123 : vector<16xi1>, vector<16xi32>
    %broadcast_in_dim3A_131 = vector.shape_cast %select_n3A_130 : vector<16xi32> to vector<16x1xi32>
    %gather3A_132 = vector.shape_cast %broadcast_in_dim3A_131 : vector<16x1xi32> to vector<16xi32>
    %gather3A_133 = tpu.dynamic_gather %max3A_120[%gather3A_132] in [0] : vector<16xf32>, vector<16xi32> -> vector<16xf32>
    %max3A_134 = arith.maximumf %max3A_120, %gather3A_133 : vector<16xf32>
    %xor3A_135 = arith.constant 1 : i32
    %xor3A_136 = vector.broadcast %xor3A_135 : i32 to vector<16xi32>
    %xor3A_137 = arith.xori %iota3A_96, %xor3A_136 : vector<16xi32>
    %lt3A_138 = arith.constant 0 : i32
    %lt3A_139 = vector.broadcast %lt3A_138 : i32 to vector<16xi32>
    %lt3A_140 = arith.cmpi slt, %xor3A_137, %lt3A_139 : vector<16xi32>
    %add3A_141 = arith.constant 16 : i32
    %add3A_142 = vector.broadcast %add3A_141 : i32 to vector<16xi32>
    %add3A_143 = arith.addi %xor3A_137, %add3A_142 : vector<16xi32>
    %select_n3A_144 = arith.select %lt3A_140, %add3A_143, %xor3A_137 : vector<16xi1>, vector<16xi32>
    %broadcast_in_dim3A_145 = vector.shape_cast %select_n3A_144 : vector<16xi32> to vector<16x1xi32>
    %gather3A_146 = vector.shape_cast %broadcast_in_dim3A_145 : vector<16x1xi32> to vector<16xi32>
    %gather3A_147 = tpu.dynamic_gather %max3A_134[%gather3A_146] in [0] : vector<16xf32>, vector<16xi32> -> vector<16xf32>
    %max3A_148 = arith.maximumf %max3A_134, %gather3A_147 : vector<16xf32>
    %broadcast_in_dim3A_149 = arith.constant 0.000000e+00 : f32
    %broadcast_in_dim3A_150 = vector.broadcast %broadcast_in_dim3A_149 : f32 to vector<16xf32>
    %broadcast_in_dim3A_151 = arith.constant 0.000000e+00 : f32
    %broadcast_in_dim3A_152 = vector.broadcast %broadcast_in_dim3A_151 : f32 to vector<16xf32>
    %broadcast_in_dim3A_153 = arith.constant 0.000000e+00 : f32
    %broadcast_in_dim3A_154 = vector.broadcast %broadcast_in_dim3A_153 : f32 to vector<16xf32>
    %broadcast_in_dim3A_155 = arith.constant 0.000000e+00 : f32
    %broadcast_in_dim3A_156 = vector.broadcast %broadcast_in_dim3A_155 : f32 to vector<16xf32>
    %broadcast_in_dim3A_157 = arith.constant 0.000000e+00 : f32
    %broadcast_in_dim3A_158 = vector.broadcast %broadcast_in_dim3A_157 : f32 to vector<16xf32>
    %broadcast_in_dim3A_159 = arith.constant 0.000000e+00 : f32
    %broadcast_in_dim3A_160 = vector.broadcast %broadcast_in_dim3A_159 : f32 to vector<16xf32>
    %broadcast_in_dim3A_161 = arith.constant 0.000000e+00 : f32
    %broadcast_in_dim3A_162 = vector.broadcast %broadcast_in_dim3A_161 : f32 to vector<16xf32>
    %broadcast_in_dim3A_163 = arith.constant 0.000000e+00 : f32
    %broadcast_in_dim3A_164 = vector.broadcast %broadcast_in_dim3A_163 : f32 to vector<16xf32>
    %parallel_loop3A_165 = arith.constant 0 : i32
    %parallel_loop3A_166 = arith.constant 12288 : i32
    %parallel_loop3A_167 = arith.constant 128 : i32
    %parallel_loop3A_168:8 = scf.for %parallel_loop3A_254 = %parallel_loop3A_165 to %parallel_loop3A_166 step %parallel_loop3A_167 iter_args(%parallel_loop3A_255 = %broadcast_in_dim3A_150, %parallel_loop3A_256 = %broadcast_in_dim3A_152, %parallel_loop3A_257 = %broadcast_in_dim3A_154, %parallel_loop3A_258 = %broadcast_in_dim3A_156, %parallel_loop3A_259 = %broadcast_in_dim3A_158, %parallel_loop3A_260 = %broadcast_in_dim3A_160, %parallel_loop3A_261 = %broadcast_in_dim3A_162, %parallel_loop3A_262 = %broadcast_in_dim3A_164) -> (vector<16xf32>, vector<16xf32>, vector<16xf32>, vector<16xf32>, vector<16xf32>, vector<16xf32>, vector<16xf32>, vector<16xf32>)  : i32 {
      %parallel_loop3A_263 = arith.constant 0 : i32
      %parallel_loop3A_264 = arith.addi %parallel_loop3A_263, %parallel_loop3A_254 : i32
      %parallel_loop3A_265 = arith.constant 0 : i32
      %parallel_loop3A_266 = arith.addi %parallel_loop3A_264, %parallel_loop3A_265 : i32
      %parallel_loop3A_267 = arith.index_cast %parallel_loop3A_266 : i32 to index
      %parallel_loop3A_268 = tpu.vector_load %arg5[%parallel_loop3A_267] {strides = array<i32>} : memref<24576xf32, #tpu.memory_space<vmem>>, vector<16xf32>,
      %parallel_loop3A_269 = vector.shape_cast %parallel_loop3A_268 : vector<16xf32> to vector<16xf32>
      %parallel_loop3A_270 = arith.subf %parallel_loop3A_269, %max3A_148 : vector<16xf32>
      %parallel_loop3A_271 = math.exp %parallel_loop3A_270 : vector<16xf32>
      %parallel_loop3A_272 = arith.addf %parallel_loop3A_255, %parallel_loop3A_271 : vector<16xf32>
      %parallel_loop3A_273 = arith.constant 0 : i32
      %parallel_loop3A_274 = arith.addi %parallel_loop3A_273, %parallel_loop3A_254 : i32
      %parallel_loop3A_275 = arith.constant 16 : i32
      %parallel_loop3A_276 = arith.addi %parallel_loop3A_274, %parallel_loop3A_275 : i32
      %parallel_loop3A_277 = arith.index_cast %parallel_loop3A_276 : i32 to index
      %parallel_loop3A_278 = tpu.vector_load %arg5[%parallel_loop3A_277] {strides = array<i32>} : memref<24576xf32, #tpu.memory_space<vmem>>, vector<16xf32>,
      %parallel_loop3A_279 = vector.shape_cast %parallel_loop3A_278 : vector<16xf32> to vector<16xf32>
      %parallel_loop3A_280 = arith.subf %parallel_loop3A_279, %max3A_148 : vector<16xf32>
      %parallel_loop3A_281 = math.exp %parallel_loop3A_280 : vector<16xf32>
      %parallel_loop3A_282 = arith.addf %parallel_loop3A_256, %parallel_loop3A_281 : vector<16xf32>
      %parallel_loop3A_283 = arith.constant 0 : i32
      %parallel_loop3A_284 = arith.addi %parallel_loop3A_283, %parallel_loop3A_254 : i32
      %parallel_loop3A_285 = arith.constant 32 : i32
      %parallel_loop3A_286 = arith.addi %parallel_loop3A_284, %parallel_loop3A_285 : i32
      %parallel_loop3A_287 = arith.index_cast %parallel_loop3A_286 : i32 to index
      %parallel_loop3A_288 = tpu.vector_load %arg5[%parallel_loop3A_287] {strides = array<i32>} : memref<24576xf32, #tpu.memory_space<vmem>>, vector<16xf32>,
      %parallel_loop3A_289 = vector.shape_cast %parallel_loop3A_288 : vector<16xf32> to vector<16xf32>
      %parallel_loop3A_290 = arith.subf %parallel_loop3A_289, %max3A_148 : vector<16xf32>
      %parallel_loop3A_291 = math.exp %parallel_loop3A_290 : vector<16xf32>
      %parallel_loop3A_292 = arith.addf %parallel_loop3A_257, %parallel_loop3A_291 : vector<16xf32>
      %parallel_loop3A_293 = arith.constant 0 : i32
      %parallel_loop3A_294 = arith.addi %parallel_loop3A_293, %parallel_loop3A_254 : i32
      %parallel_loop3A_295 = arith.constant 48 : i32
      %parallel_loop3A_296 = arith.addi %parallel_loop3A_294, %parallel_loop3A_295 : i32
      %parallel_loop3A_297 = arith.index_cast %parallel_loop3A_296 : i32 to index
      %parallel_loop3A_298 = tpu.vector_load %arg5[%parallel_loop3A_297] {strides = array<i32>} : memref<24576xf32, #tpu.memory_space<vmem>>, vector<16xf32>,
      %parallel_loop3A_299 = vector.shape_cast %parallel_loop3A_298 : vector<16xf32> to vector<16xf32>
      %parallel_loop3A_300 = arith.subf %parallel_loop3A_299, %max3A_148 : vector<16xf32>
      %parallel_loop3A_301 = math.exp %parallel_loop3A_300 : vector<16xf32>
      %parallel_loop3A_302 = arith.addf %parallel_loop3A_258, %parallel_loop3A_301 : vector<16xf32>
      %parallel_loop3A_303 = arith.constant 0 : i32
      %parallel_loop3A_304 = arith.addi %parallel_loop3A_303, %parallel_loop3A_254 : i32
      %parallel_loop3A_305 = arith.constant 64 : i32
      %parallel_loop3A_306 = arith.addi %parallel_loop3A_304, %parallel_loop3A_305 : i32
      %parallel_loop3A_307 = arith.index_cast %parallel_loop3A_306 : i32 to index
      %parallel_loop3A_308 = tpu.vector_load %arg5[%parallel_loop3A_307] {strides = array<i32>} : memref<24576xf32, #tpu.memory_space<vmem>>, vector<16xf32>,
      %parallel_loop3A_309 = vector.shape_cast %parallel_loop3A_308 : vector<16xf32> to vector<16xf32>
      %parallel_loop3A_310 = arith.subf %parallel_loop3A_309, %max3A_148 : vector<16xf32>
      %parallel_loop3A_311 = math.exp %parallel_loop3A_310 : vector<16xf32>
      %parallel_loop3A_312 = arith.addf %parallel_loop3A_259, %parallel_loop3A_311 : vector<16xf32>
      %parallel_loop3A_313 = arith.constant 0 : i32
      %parallel_loop3A_314 = arith.addi %parallel_loop3A_313, %parallel_loop3A_254 : i32
      %parallel_loop3A_315 = arith.constant 80 : i32
      %parallel_loop3A_316 = arith.addi %parallel_loop3A_314, %parallel_loop3A_315 : i32
      %parallel_loop3A_317 = arith.index_cast %parallel_loop3A_316 : i32 to index
      %parallel_loop3A_318 = tpu.vector_load %arg5[%parallel_loop3A_317] {strides = array<i32>} : memref<24576xf32, #tpu.memory_space<vmem>>, vector<16xf32>,
      %parallel_loop3A_319 = vector.shape_cast %parallel_loop3A_318 : vector<16xf32> to vector<16xf32>
      %parallel_loop3A_320 = arith.subf %parallel_loop3A_319, %max3A_148 : vector<16xf32>
      %parallel_loop3A_321 = math.exp %parallel_loop3A_320 : vector<16xf32>
      %parallel_loop3A_322 = arith.addf %parallel_loop3A_260, %parallel_loop3A_321 : vector<16xf32>
      %parallel_loop3A_323 = arith.constant 0 : i32
      %parallel_loop3A_324 = arith.addi %parallel_loop3A_323, %parallel_loop3A_254 : i32
      %parallel_loop3A_325 = arith.constant 96 : i32
      %parallel_loop3A_326 = arith.addi %parallel_loop3A_324, %parallel_loop3A_325 : i32
      %parallel_loop3A_327 = arith.index_cast %parallel_loop3A_326 : i32 to index
      %parallel_loop3A_328 = tpu.vector_load %arg5[%parallel_loop3A_327] {strides = array<i32>} : memref<24576xf32, #tpu.memory_space<vmem>>, vector<16xf32>,
      %parallel_loop3A_329 = vector.shape_cast %parallel_loop3A_328 : vector<16xf32> to vector<16xf32>
      %parallel_loop3A_330 = arith.subf %parallel_loop3A_329, %max3A_148 : vector<16xf32>
      %parallel_loop3A_331 = math.exp %parallel_loop3A_330 : vector<16xf32>
      %parallel_loop3A_332 = arith.addf %parallel_loop3A_261, %parallel_loop3A_331 : vector<16xf32>
      %parallel_loop3A_333 = arith.constant 0 : i32
      %parallel_loop3A_334 = arith.addi %parallel_loop3A_333, %parallel_loop3A_254 : i32
      %parallel_loop3A_335 = arith.constant 112 : i32
      %parallel_loop3A_336 = arith.addi %parallel_loop3A_334, %parallel_loop3A_335 : i32
      %parallel_loop3A_337 = arith.index_cast %parallel_loop3A_336 : i32 to index
      %parallel_loop3A_338 = tpu.vector_load %arg5[%parallel_loop3A_337] {strides = array<i32>} : memref<24576xf32, #tpu.memory_space<vmem>>, vector<16xf32>,
      %parallel_loop3A_339 = vector.shape_cast %parallel_loop3A_338 : vector<16xf32> to vector<16xf32>
      %parallel_loop3A_340 = arith.subf %parallel_loop3A_339, %max3A_148 : vector<16xf32>
      %parallel_loop3A_341 = math.exp %parallel_loop3A_340 : vector<16xf32>
      %parallel_loop3A_342 = arith.addf %parallel_loop3A_262, %parallel_loop3A_341 : vector<16xf32>
      scf.yield %parallel_loop3A_272, %parallel_loop3A_282, %parallel_loop3A_292, %parallel_loop3A_302, %parallel_loop3A_312, %parallel_loop3A_322, %parallel_loop3A_332, %parallel_loop3A_342 : vector<16xf32>, vector<16xf32>, vector<16xf32>, vector<16xf32>, vector<16xf32>, vector<16xf32>, vector<16xf32>, vector<16xf32>
    } {sc.loop_unroll_factor = 2 : i64, sc.parallel_access}
    %add3A_169 = arith.addf %parallel_loop3A_168#0, %parallel_loop3A_168#1 : vector<16xf32>
    %add3A_170 = arith.addf %add3A_169, %parallel_loop3A_168#2 : vector<16xf32>
    %add3A_171 = arith.addf %add3A_170, %parallel_loop3A_168#3 : vector<16xf32>
    %add3A_172 = arith.addf %add3A_171, %parallel_loop3A_168#4 : vector<16xf32>
    %add3A_173 = arith.addf %add3A_172, %parallel_loop3A_168#5 : vector<16xf32>
    %add3A_174 = arith.addf %add3A_173, %parallel_loop3A_168#6 : vector<16xf32>
    %add3A_175 = arith.addf %add3A_174, %parallel_loop3A_168#7 : vector<16xf32>
    %iota3A_176 = tpu.iota {dimensions = array<i32: 0>} : vector<16xi32>
    %xor3A_177 = arith.constant 8 : i32
    %xor3A_178 = vector.broadcast %xor3A_177 : i32 to vector<16xi32>
    %xor3A_179 = arith.xori %iota3A_176, %xor3A_178 : vector<16xi32>
    %lt3A_180 = arith.constant 0 : i32
    %lt3A_181 = vector.broadcast %lt3A_180 : i32 to vector<16xi32>
    %lt3A_182 = arith.cmpi slt, %xor3A_179, %lt3A_181 : vector<16xi32>
    %add3A_183 = arith.constant 16 : i32
    %add3A_184 = vector.broadcast %add3A_183 : i32 to vector<16xi32>
    %add3A_185 = arith.addi %xor3A_179, %add3A_184 : vector<16xi32>
    %select_n3A_186 = arith.select %lt3A_182, %add3A_185, %xor3A_179 : vector<16xi1>, vector<16xi32>
    %broadcast_in_dim3A_187 = vector.shape_cast %select_n3A_186 : vector<16xi32> to vector<16x1xi32>
    %gather3A_188 = vector.shape_cast %broadcast_in_dim3A_187 : vector<16x1xi32> to vector<16xi32>
    %gather3A_189 = tpu.dynamic_gather %add3A_175[%gather3A_188] in [0] : vector<16xf32>, vector<16xi32> -> vector<16xf32>
    %add3A_190 = arith.addf %add3A_175, %gather3A_189 : vector<16xf32>
    %xor3A_191 = arith.constant 4 : i32
    %xor3A_192 = vector.broadcast %xor3A_191 : i32 to vector<16xi32>
    %xor3A_193 = arith.xori %iota3A_176, %xor3A_192 : vector<16xi32>
    %lt3A_194 = arith.constant 0 : i32
    %lt3A_195 = vector.broadcast %lt3A_194 : i32 to vector<16xi32>
    %lt3A_196 = arith.cmpi slt, %xor3A_193, %lt3A_195 : vector<16xi32>
    %add3A_197 = arith.constant 16 : i32
    %add3A_198 = vector.broadcast %add3A_197 : i32 to vector<16xi32>
    %add3A_199 = arith.addi %xor3A_193, %add3A_198 : vector<16xi32>
    %select_n3A_200 = arith.select %lt3A_196, %add3A_199, %xor3A_193 : vector<16xi1>, vector<16xi32>
    %broadcast_in_dim3A_201 = vector.shape_cast %select_n3A_200 : vector<16xi32> to vector<16x1xi32>
    %gather3A_202 = vector.shape_cast %broadcast_in_dim3A_201 : vector<16x1xi32> to vector<16xi32>
    %gather3A_203 = tpu.dynamic_gather %add3A_190[%gather3A_202] in [0] : vector<16xf32>, vector<16xi32> -> vector<16xf32>
    %add3A_204 = arith.addf %add3A_190, %gather3A_203 : vector<16xf32>
    %xor3A_205 = arith.constant 2 : i32
    %xor3A_206 = vector.broadcast %xor3A_205 : i32 to vector<16xi32>
    %xor3A_207 = arith.xori %iota3A_176, %xor3A_206 : vector<16xi32>
    %lt3A_208 = arith.constant 0 : i32
    %lt3A_209 = vector.broadcast %lt3A_208 : i32 to vector<16xi32>
    %lt3A_210 = arith.cmpi slt, %xor3A_207, %lt3A_209 : vector<16xi32>
    %add3A_211 = arith.constant 16 : i32
    %add3A_212 = vector.broadcast %add3A_211 : i32 to vector<16xi32>
    %add3A_213 = arith.addi %xor3A_207, %add3A_212 : vector<16xi32>
    %select_n3A_214 = arith.select %lt3A_210, %add3A_213, %xor3A_207 : vector<16xi1>, vector<16xi32>
    %broadcast_in_dim3A_215 = vector.shape_cast %select_n3A_214 : vector<16xi32> to vector<16x1xi32>
    %gather3A_216 = vector.shape_cast %broadcast_in_dim3A_215 : vector<16x1xi32> to vector<16xi32>
    %gather3A_217 = tpu.dynamic_gather %add3A_204[%gather3A_216] in [0] : vector<16xf32>, vector<16xi32> -> vector<16xf32>
    %add3A_218 = arith.addf %add3A_204, %gather3A_217 : vector<16xf32>
    %xor3A_219 = arith.constant 1 : i32
    %xor3A_220 = vector.broadcast %xor3A_219 : i32 to vector<16xi32>
    %xor3A_221 = arith.xori %iota3A_176, %xor3A_220 : vector<16xi32>
    %lt3A_222 = arith.constant 0 : i32
    %lt3A_223 = vector.broadcast %lt3A_222 : i32 to vector<16xi32>
    %lt3A_224 = arith.cmpi slt, %xor3A_221, %lt3A_223 : vector<16xi32>
    %add3A_225 = arith.constant 16 : i32
    %add3A_226 = vector.broadcast %add3A_225 : i32 to vector<16xi32>
    %add3A_227 = arith.addi %xor3A_221, %add3A_226 : vector<16xi32>
    %select_n3A_228 = arith.select %lt3A_224, %add3A_227, %xor3A_221 : vector<16xi1>, vector<16xi32>
    %broadcast_in_dim3A_229 = vector.shape_cast %select_n3A_228 : vector<16xi32> to vector<16x1xi32>
    %gather3A_230 = vector.shape_cast %broadcast_in_dim3A_229 : vector<16x1xi32> to vector<16xi32>
    %gather3A_231 = tpu.dynamic_gather %add3A_218[%gather3A_230] in [0] : vector<16xf32>, vector<16xi32> -> vector<16xf32>
    %add3A_232 = arith.addf %add3A_218, %gather3A_231 : vector<16xf32>
    %broadcast_in_dim3A_233 = arith.constant 0.000000e+00 : f32
    %broadcast_in_dim3A_234 = vector.broadcast %broadcast_in_dim3A_233 : f32 to vector<16xf32>
    %eq3A = arith.constant 0 : i32
    %eq3A_235 = vector.broadcast %eq3A : i32 to vector<16xi32>
    %eq3A_236 = arith.cmpi eq, %iota3A, %eq3A_235 : vector<16xi32>
    %select_n3A_237 = arith.select %eq3A_236, %add3A_232, %broadcast_in_dim3A_234 : vector<16xi1>, vector<16xf32>
    %eq3A_238 = arith.constant 0 : i32
    %eq3A_239 = vector.broadcast %eq3A_238 : i32 to vector<16xi32>
    %eq3A_240 = arith.cmpi eq, %iota3A, %eq3A_239 : vector<16xi32>
    %select_n3A_241 = arith.select %eq3A_240, %max3A_148, %broadcast_in_dim3A_234 : vector<16xi1>, vector<16xf32>
    %scan3A = arith.constant 1 : i32
    %scan3A_242 = arith.constant 3 : i32
    %scan3A_243 = arith.addi %scan3A, %scan3A_242 : i32
    %scan3A_244 = arith.constant 1 : i32
    %scan3A_245:2 = scf.for %scan3A_254 = %scan3A to %scan3A_243 step %scan3A_244 iter_args(%scan3A_255 = %select_n3A_237, %scan3A_256 = %select_n3A_241) -> (vector<16xf32>, vector<16xf32>)  : i32 {
      %rem3A = arith.constant 2 : i32
      %rem3A_257 = arith.remsi %scan3A_254, %rem3A : i32
      %add3A_258 = arith.constant 1 : i32
      %add3A_259 = arith.addi %scan3A_254, %add3A_258 : i32
      %rem3A_260 = arith.constant 2 : i32
      %rem3A_261 = arith.remsi %add3A_259, %rem3A_260 : i32
      %add3A_262 = arith.constant 1 : i32
      %add3A_263 = arith.addi %scan3A_254, %add3A_262 : i32
      %lt3A_264 = arith.constant 4 : i32
      %lt3A_265 = arith.cmpi slt, %add3A_263, %lt3A_264 : i32
      %convert_element_type3A = arith.extui %lt3A_265 : i1 to i32
      %cond3A = arith.constant 0 : i32
      %cond3A_266 = arith.cmpi ne, %convert_element_type3A, %cond3A : i32
      scf.if %cond3A_266 {
        %add3A_458 = arith.addi %mul3A_2, %scan3A_254 : i32
        %add3A_459 = arith.constant 1 : i32
        %add3A_460 = arith.addi %add3A_458, %add3A_459 : i32
        %mul3A_461 = arith.constant 12288 : i32
        %mul3A_462 = arith.muli %rem3A_261, %mul3A_461 : i32
        %dma_start3A_463 = tpu.memref_slice %arg5[%mul3A_462] : memref<24576xf32, #tpu.memory_space<vmem>> -> memref<12288xf32, #tpu.memory_space<vmem>>
        %dma_start3A_464 = arith.constant 20480 : i32
        %dma_start3A_465 = tpu.memref_slice %arg2[%add3A_460, %dma_start3A_464] : memref<128x32768xf32, #tpu.memory_space<hbm>> -> memref<1x12288xf32, #tpu.memory_space<hbm>>
        %dma_start3A_466 = tpu.memref_squeeze %dma_start3A_465 : memref<1x12288xf32, #tpu.memory_space<hbm>> -> memref<12288xf32, #tpu.memory_space<hbm>>
        %dma_start3A_467 = tpu.memref_slice %arg8[%rem3A_261] : memref<4x!tpu.dma_semaphore, #tpu.memory_space<semaphore_mem>> -> memref<1x!tpu.dma_semaphore, #tpu.memory_space<semaphore_mem>>
        %dma_start3A_468 = tpu.memref_squeeze %dma_start3A_467 : memref<1x!tpu.dma_semaphore, #tpu.memory_space<semaphore_mem>> -> memref<!tpu.dma_semaphore, #tpu.memory_space<semaphore_mem>>
        %dma_start3A_469 = tpu.memref_slice %arg5[%mul3A_462] : memref<24576xf32, #tpu.memory_space<vmem>> -> memref<12288xf32, #tpu.memory_space<vmem>>
        %dma_start3A_470 = arith.constant 20480 : i32
        %dma_start3A_471 = tpu.memref_slice %arg2[%add3A_460, %dma_start3A_470] : memref<128x32768xf32, #tpu.memory_space<hbm>> -> memref<1x12288xf32, #tpu.memory_space<hbm>>
        %dma_start3A_472 = tpu.memref_squeeze %dma_start3A_471 : memref<1x12288xf32, #tpu.memory_space<hbm>> -> memref<12288xf32, #tpu.memory_space<hbm>>
        tpu.enqueue_dma source(%dma_start3A_472 : memref<12288xf32, #tpu.memory_space<hbm>>) target(%dma_start3A_469 : memref<12288xf32, #tpu.memory_space<vmem>>) target_semaphore(%dma_start3A_468 : memref<!tpu.dma_semaphore, #tpu.memory_space<semaphore_mem>>)
      } else {
      }
      %add3A_267 = arith.addi %mul3A_2, %scan3A_254 : i32
      %mul3A_268 = arith.constant 12288 : i32
      %mul3A_269 = arith.muli %rem3A_257, %mul3A_268 : i32
      %dma_wait3A_270 = tpu.memref_slice %arg5[%mul3A_269] : memref<24576xf32, #tpu.memory_space<vmem>> -> memref<12288xf32, #tpu.memory_space<vmem>>
      %dma_wait3A_271 = arith.constant 20480 : i32
      %dma_wait3A_272 = tpu.memref_slice %arg2[%add3A_267, %dma_wait3A_271] : memref<128x32768xf32, #tpu.memory_space<hbm>> -> memref<1x12288xf32, #tpu.memory_space<hbm>>
      %dma_wait3A_273 = tpu.memref_squeeze %dma_wait3A_272 : memref<1x12288xf32, #tpu.memory_space<hbm>> -> memref<12288xf32, #tpu.memory_space<hbm>>
      %dma_wait3A_274 = tpu.memref_slice %arg8[%rem3A_257] : memref<4x!tpu.dma_semaphore, #tpu.memory_space<semaphore_mem>> -> memref<1x!tpu.dma_semaphore, #tpu.memory_space<semaphore_mem>>
      %dma_wait3A_275 = tpu.memref_squeeze %dma_wait3A_274 : memref<1x!tpu.dma_semaphore, #tpu.memory_space<semaphore_mem>> -> memref<!tpu.dma_semaphore, #tpu.memory_space<semaphore_mem>>
      %dma_wait3A_276 = tpu.memref_slice %arg5[%mul3A_269] : memref<24576xf32, #tpu.memory_space<vmem>> -> memref<12288xf32, #tpu.memory_space<vmem>>
      %dma_wait3A_277 = arith.constant 20480 : i32
      %dma_wait3A_278 = tpu.memref_slice %arg2[%add3A_267, %dma_wait3A_277] : memref<128x32768xf32, #tpu.memory_space<hbm>> -> memref<1x12288xf32, #tpu.memory_space<hbm>>
      %dma_wait3A_279 = tpu.memref_squeeze %dma_wait3A_278 : memref<1x12288xf32, #tpu.memory_space<hbm>> -> memref<12288xf32, #tpu.memory_space<hbm>>
      tpu.wait_dma2 semaphore(%dma_wait3A_275 : memref<!tpu.dma_semaphore, #tpu.memory_space<semaphore_mem>>) src(%dma_wait3A_279 : memref<12288xf32, #tpu.memory_space<hbm>>) dst(%dma_wait3A_276 : memref<12288xf32, #tpu.memory_space<vmem>>)
      %mul3A_280 = arith.constant 12288 : i32
      %mul3A_281 = arith.muli %rem3A_257, %mul3A_280 : i32
      %broadcast_in_dim3A_282 = arith.constant 0xFF800000 : f32
      %broadcast_in_dim3A_283 = vector.broadcast %broadcast_in_dim3A_282 : f32 to vector<16xf32>
      %broadcast_in_dim3A_284 = arith.constant 0xFF800000 : f32
      %broadcast_in_dim3A_285 = vector.broadcast %broadcast_in_dim3A_284 : f32 to vector<16xf32>
      %broadcast_in_dim3A_286 = arith.constant 0xFF800000 : f32
      %broadcast_in_dim3A_287 = vector.broadcast %broadcast_in_dim3A_286 : f32 to vector<16xf32>
      %broadcast_in_dim3A_288 = arith.constant 0xFF800000 : f32
      %broadcast_in_dim3A_289 = vector.broadcast %broadcast_in_dim3A_288 : f32 to vector<16xf32>
      %broadcast_in_dim3A_290 = arith.constant 0xFF800000 : f32
      %broadcast_in_dim3A_291 = vector.broadcast %broadcast_in_dim3A_290 : f32 to vector<16xf32>
      %broadcast_in_dim3A_292 = arith.constant 0xFF800000 : f32
      %broadcast_in_dim3A_293 = vector.broadcast %broadcast_in_dim3A_292 : f32 to vector<16xf32>
      %broadcast_in_dim3A_294 = arith.constant 0xFF800000 : f32
      %broadcast_in_dim3A_295 = vector.broadcast %broadcast_in_dim3A_294 : f32 to vector<16xf32>
      %broadcast_in_dim3A_296 = arith.constant 0xFF800000 : f32
      %broadcast_in_dim3A_297 = vector.broadcast %broadcast_in_dim3A_296 : f32 to vector<16xf32>
      %parallel_loop3A_298 = arith.constant 0 : i32
      %parallel_loop3A_299 = arith.constant 12288 : i32
      %parallel_loop3A_300 = arith.constant 128 : i32
      %parallel_loop3A_301:8 = scf.for %parallel_loop3A_458 = %parallel_loop3A_298 to %parallel_loop3A_299 step %parallel_loop3A_300 iter_args(%parallel_loop3A_459 = %broadcast_in_dim3A_283, %parallel_loop3A_460 = %broadcast_in_dim3A_285, %parallel_loop3A_461 = %broadcast_in_dim3A_287, %parallel_loop3A_462 = %broadcast_in_dim3A_289, %parallel_loop3A_463 = %broadcast_in_dim3A_291, %parallel_loop3A_464 = %broadcast_in_dim3A_293, %parallel_loop3A_465 = %broadcast_in_dim3A_295, %parallel_loop3A_466 = %broadcast_in_dim3A_297) -> (vector<16xf32>, vector<16xf32>, vector<16xf32>, vector<16xf32>, vector<16xf32>, vector<16xf32>, vector<16xf32>, vector<16xf32>)  : i32 {
        %parallel_loop3A_467 = arith.addi %mul3A_281, %parallel_loop3A_458 : i32
        %parallel_loop3A_468 = arith.constant 0 : i32
        %parallel_loop3A_469 = arith.addi %parallel_loop3A_467, %parallel_loop3A_468 : i32
        %parallel_loop3A_470 = arith.index_cast %parallel_loop3A_469 : i32 to index
        %parallel_loop3A_471 = tpu.vector_load %arg5[%parallel_loop3A_470] {strides = array<i32>} : memref<24576xf32, #tpu.memory_space<vmem>>, vector<16xf32>,
        %parallel_loop3A_472 = vector.shape_cast %parallel_loop3A_471 : vector<16xf32> to vector<16xf32>
        %parallel_loop3A_473 = arith.maximumf %parallel_loop3A_459, %parallel_loop3A_472 : vector<16xf32>
        %parallel_loop3A_474 = arith.addi %mul3A_281, %parallel_loop3A_458 : i32
        %parallel_loop3A_475 = arith.constant 16 : i32
        %parallel_loop3A_476 = arith.addi %parallel_loop3A_474, %parallel_loop3A_475 : i32
        %parallel_loop3A_477 = arith.index_cast %parallel_loop3A_476 : i32 to index
        %parallel_loop3A_478 = tpu.vector_load %arg5[%parallel_loop3A_477] {strides = array<i32>} : memref<24576xf32, #tpu.memory_space<vmem>>, vector<16xf32>,
        %parallel_loop3A_479 = vector.shape_cast %parallel_loop3A_478 : vector<16xf32> to vector<16xf32>
        %parallel_loop3A_480 = arith.maximumf %parallel_loop3A_460, %parallel_loop3A_479 : vector<16xf32>
        %parallel_loop3A_481 = arith.addi %mul3A_281, %parallel_loop3A_458 : i32
        %parallel_loop3A_482 = arith.constant 32 : i32
        %parallel_loop3A_483 = arith.addi %parallel_loop3A_481, %parallel_loop3A_482 : i32
        %parallel_loop3A_484 = arith.index_cast %parallel_loop3A_483 : i32 to index
        %parallel_loop3A_485 = tpu.vector_load %arg5[%parallel_loop3A_484] {strides = array<i32>} : memref<24576xf32, #tpu.memory_space<vmem>>, vector<16xf32>,
        %parallel_loop3A_486 = vector.shape_cast %parallel_loop3A_485 : vector<16xf32> to vector<16xf32>
        %parallel_loop3A_487 = arith.maximumf %parallel_loop3A_461, %parallel_loop3A_486 : vector<16xf32>
        %parallel_loop3A_488 = arith.addi %mul3A_281, %parallel_loop3A_458 : i32
        %parallel_loop3A_489 = arith.constant 48 : i32
        %parallel_loop3A_490 = arith.addi %parallel_loop3A_488, %parallel_loop3A_489 : i32
        %parallel_loop3A_491 = arith.index_cast %parallel_loop3A_490 : i32 to index
        %parallel_loop3A_492 = tpu.vector_load %arg5[%parallel_loop3A_491] {strides = array<i32>} : memref<24576xf32, #tpu.memory_space<vmem>>, vector<16xf32>,
        %parallel_loop3A_493 = vector.shape_cast %parallel_loop3A_492 : vector<16xf32> to vector<16xf32>
        %parallel_loop3A_494 = arith.maximumf %parallel_loop3A_462, %parallel_loop3A_493 : vector<16xf32>
        %parallel_loop3A_495 = arith.addi %mul3A_281, %parallel_loop3A_458 : i32
        %parallel_loop3A_496 = arith.constant 64 : i32
        %parallel_loop3A_497 = arith.addi %parallel_loop3A_495, %parallel_loop3A_496 : i32
        %parallel_loop3A_498 = arith.index_cast %parallel_loop3A_497 : i32 to index
        %parallel_loop3A_499 = tpu.vector_load %arg5[%parallel_loop3A_498] {strides = array<i32>} : memref<24576xf32, #tpu.memory_space<vmem>>, vector<16xf32>,
        %parallel_loop3A_500 = vector.shape_cast %parallel_loop3A_499 : vector<16xf32> to vector<16xf32>
        %parallel_loop3A_501 = arith.maximumf %parallel_loop3A_463, %parallel_loop3A_500 : vector<16xf32>
        %parallel_loop3A_502 = arith.addi %mul3A_281, %parallel_loop3A_458 : i32
        %parallel_loop3A_503 = arith.constant 80 : i32
        %parallel_loop3A_504 = arith.addi %parallel_loop3A_502, %parallel_loop3A_503 : i32
        %parallel_loop3A_505 = arith.index_cast %parallel_loop3A_504 : i32 to index
        %parallel_loop3A_506 = tpu.vector_load %arg5[%parallel_loop3A_505] {strides = array<i32>} : memref<24576xf32, #tpu.memory_space<vmem>>, vector<16xf32>,
        %parallel_loop3A_507 = vector.shape_cast %parallel_loop3A_506 : vector<16xf32> to vector<16xf32>
        %parallel_loop3A_508 = arith.maximumf %parallel_loop3A_464, %parallel_loop3A_507 : vector<16xf32>
        %parallel_loop3A_509 = arith.addi %mul3A_281, %parallel_loop3A_458 : i32
        %parallel_loop3A_510 = arith.constant 96 : i32
        %parallel_loop3A_511 = arith.addi %parallel_loop3A_509, %parallel_loop3A_510 : i32
        %parallel_loop3A_512 = arith.index_cast %parallel_loop3A_511 : i32 to index
        %parallel_loop3A_513 = tpu.vector_load %arg5[%parallel_loop3A_512] {strides = array<i32>} : memref<24576xf32, #tpu.memory_space<vmem>>, vector<16xf32>,
        %parallel_loop3A_514 = vector.shape_cast %parallel_loop3A_513 : vector<16xf32> to vector<16xf32>
        %parallel_loop3A_515 = arith.maximumf %parallel_loop3A_465, %parallel_loop3A_514 : vector<16xf32>
        %parallel_loop3A_516 = arith.addi %mul3A_281, %parallel_loop3A_458 : i32
        %parallel_loop3A_517 = arith.constant 112 : i32
        %parallel_loop3A_518 = arith.addi %parallel_loop3A_516, %parallel_loop3A_517 : i32
        %parallel_loop3A_519 = arith.index_cast %parallel_loop3A_518 : i32 to index
        %parallel_loop3A_520 = tpu.vector_load %arg5[%parallel_loop3A_519] {strides = array<i32>} : memref<24576xf32, #tpu.memory_space<vmem>>, vector<16xf32>,
        %parallel_loop3A_521 = vector.shape_cast %parallel_loop3A_520 : vector<16xf32> to vector<16xf32>
        %parallel_loop3A_522 = arith.maximumf %parallel_loop3A_466, %parallel_loop3A_521 : vector<16xf32>
        scf.yield %parallel_loop3A_473, %parallel_loop3A_480, %parallel_loop3A_487, %parallel_loop3A_494, %parallel_loop3A_501, %parallel_loop3A_508, %parallel_loop3A_515, %parallel_loop3A_522 : vector<16xf32>, vector<16xf32>, vector<16xf32>, vector<16xf32>, vector<16xf32>, vector<16xf32>, vector<16xf32>, vector<16xf32>
      } {sc.loop_unroll_factor = 2 : i64, sc.parallel_access}
      %max3A_302 = arith.maximumf %parallel_loop3A_301#0, %parallel_loop3A_301#1 : vector<16xf32>
      %max3A_303 = arith.maximumf %max3A_302, %parallel_loop3A_301#2 : vector<16xf32>
      %max3A_304 = arith.maximumf %max3A_303, %parallel_loop3A_301#3 : vector<16xf32>
      %max3A_305 = arith.maximumf %max3A_304, %parallel_loop3A_301#4 : vector<16xf32>
      %max3A_306 = arith.maximumf %max3A_305, %parallel_loop3A_301#5 : vector<16xf32>
      %max3A_307 = arith.maximumf %max3A_306, %parallel_loop3A_301#6 : vector<16xf32>
      %max3A_308 = arith.maximumf %max3A_307, %parallel_loop3A_301#7 : vector<16xf32>
      %iota3A_309 = tpu.iota {dimensions = array<i32: 0>} : vector<16xi32>
      %xor3A_310 = arith.constant 8 : i32
      %xor3A_311 = vector.broadcast %xor3A_310 : i32 to vector<16xi32>
      %xor3A_312 = arith.xori %iota3A_309, %xor3A_311 : vector<16xi32>
      %lt3A_313 = arith.constant 0 : i32
      %lt3A_314 = vector.broadcast %lt3A_313 : i32 to vector<16xi32>
      %lt3A_315 = arith.cmpi slt, %xor3A_312, %lt3A_314 : vector<16xi32>
      %add3A_316 = arith.constant 16 : i32
      %add3A_317 = vector.broadcast %add3A_316 : i32 to vector<16xi32>
      %add3A_318 = arith.addi %xor3A_312, %add3A_317 : vector<16xi32>
      %select_n3A_319 = arith.select %lt3A_315, %add3A_318, %xor3A_312 : vector<16xi1>, vector<16xi32>
      %broadcast_in_dim3A_320 = vector.shape_cast %select_n3A_319 : vector<16xi32> to vector<16x1xi32>
      %gather3A_321 = vector.shape_cast %broadcast_in_dim3A_320 : vector<16x1xi32> to vector<16xi32>
      %gather3A_322 = tpu.dynamic_gather %max3A_308[%gather3A_321] in [0] : vector<16xf32>, vector<16xi32> -> vector<16xf32>
      %max3A_323 = arith.maximumf %max3A_308, %gather3A_322 : vector<16xf32>
      %xor3A_324 = arith.constant 4 : i32
      %xor3A_325 = vector.broadcast %xor3A_324 : i32 to vector<16xi32>
      %xor3A_326 = arith.xori %iota3A_309, %xor3A_325 : vector<16xi32>
      %lt3A_327 = arith.constant 0 : i32
      %lt3A_328 = vector.broadcast %lt3A_327 : i32 to vector<16xi32>
      %lt3A_329 = arith.cmpi slt, %xor3A_326, %lt3A_328 : vector<16xi32>
      %add3A_330 = arith.constant 16 : i32
      %add3A_331 = vector.broadcast %add3A_330 : i32 to vector<16xi32>
      %add3A_332 = arith.addi %xor3A_326, %add3A_331 : vector<16xi32>
      %select_n3A_333 = arith.select %lt3A_329, %add3A_332, %xor3A_326 : vector<16xi1>, vector<16xi32>
      %broadcast_in_dim3A_334 = vector.shape_cast %select_n3A_333 : vector<16xi32> to vector<16x1xi32>
      %gather3A_335 = vector.shape_cast %broadcast_in_dim3A_334 : vector<16x1xi32> to vector<16xi32>
      %gather3A_336 = tpu.dynamic_gather %max3A_323[%gather3A_335] in [0] : vector<16xf32>, vector<16xi32> -> vector<16xf32>
      %max3A_337 = arith.maximumf %max3A_323, %gather3A_336 : vector<16xf32>
      %xor3A_338 = arith.constant 2 : i32
      %xor3A_339 = vector.broadcast %xor3A_338 : i32 to vector<16xi32>
      %xor3A_340 = arith.xori %iota3A_309, %xor3A_339 : vector<16xi32>
      %lt3A_341 = arith.constant 0 : i32
      %lt3A_342 = vector.broadcast %lt3A_341 : i32 to vector<16xi32>
      %lt3A_343 = arith.cmpi slt, %xor3A_340, %lt3A_342 : vector<16xi32>
      %add3A_344 = arith.constant 16 : i32
      %add3A_345 = vector.broadcast %add3A_344 : i32 to vector<16xi32>
      %add3A_346 = arith.addi %xor3A_340, %add3A_345 : vector<16xi32>
      %select_n3A_347 = arith.select %lt3A_343, %add3A_346, %xor3A_340 : vector<16xi1>, vector<16xi32>
      %broadcast_in_dim3A_348 = vector.shape_cast %select_n3A_347 : vector<16xi32> to vector<16x1xi32>
      %gather3A_349 = vector.shape_cast %broadcast_in_dim3A_348 : vector<16x1xi32> to vector<16xi32>
      %gather3A_350 = tpu.dynamic_gather %max3A_337[%gather3A_349] in [0] : vector<16xf32>, vector<16xi32> -> vector<16xf32>
      %max3A_351 = arith.maximumf %max3A_337, %gather3A_350 : vector<16xf32>
      %xor3A_352 = arith.constant 1 : i32
      %xor3A_353 = vector.broadcast %xor3A_352 : i32 to vector<16xi32>
      %xor3A_354 = arith.xori %iota3A_309, %xor3A_353 : vector<16xi32>
      %lt3A_355 = arith.constant 0 : i32
      %lt3A_356 = vector.broadcast %lt3A_355 : i32 to vector<16xi32>
      %lt3A_357 = arith.cmpi slt, %xor3A_354, %lt3A_356 : vector<16xi32>
      %add3A_358 = arith.constant 16 : i32
      %add3A_359 = vector.broadcast %add3A_358 : i32 to vector<16xi32>
      %add3A_360 = arith.addi %xor3A_354, %add3A_359 : vector<16xi32>
      %select_n3A_361 = arith.select %lt3A_357, %add3A_360, %xor3A_354 : vector<16xi1>, vector<16xi32>
      %broadcast_in_dim3A_362 = vector.shape_cast %select_n3A_361 : vector<16xi32> to vector<16x1xi32>
      %gather3A_363 = vector.shape_cast %broadcast_in_dim3A_362 : vector<16x1xi32> to vector<16xi32>
      %gather3A_364 = tpu.dynamic_gather %max3A_351[%gather3A_363] in [0] : vector<16xf32>, vector<16xi32> -> vector<16xf32>
      %max3A_365 = arith.maximumf %max3A_351, %gather3A_364 : vector<16xf32>
      %mul3A_366 = arith.constant 12288 : i32
      %mul3A_367 = arith.muli %rem3A_257, %mul3A_366 : i32
      %broadcast_in_dim3A_368 = arith.constant 0.000000e+00 : f32
      %broadcast_in_dim3A_369 = vector.broadcast %broadcast_in_dim3A_368 : f32 to vector<16xf32>
      %broadcast_in_dim3A_370 = arith.constant 0.000000e+00 : f32
      %broadcast_in_dim3A_371 = vector.broadcast %broadcast_in_dim3A_370 : f32 to vector<16xf32>
      %broadcast_in_dim3A_372 = arith.constant 0.000000e+00 : f32
      %broadcast_in_dim3A_373 = vector.broadcast %broadcast_in_dim3A_372 : f32 to vector<16xf32>
      %broadcast_in_dim3A_374 = arith.constant 0.000000e+00 : f32
      %broadcast_in_dim3A_375 = vector.broadcast %broadcast_in_dim3A_374 : f32 to vector<16xf32>
      %broadcast_in_dim3A_376 = arith.constant 0.000000e+00 : f32
      %broadcast_in_dim3A_377 = vector.broadcast %broadcast_in_dim3A_376 : f32 to vector<16xf32>
      %broadcast_in_dim3A_378 = arith.constant 0.000000e+00 : f32
      %broadcast_in_dim3A_379 = vector.broadcast %broadcast_in_dim3A_378 : f32 to vector<16xf32>
      %broadcast_in_dim3A_380 = arith.constant 0.000000e+00 : f32
      %broadcast_in_dim3A_381 = vector.broadcast %broadcast_in_dim3A_380 : f32 to vector<16xf32>
      %broadcast_in_dim3A_382 = arith.constant 0.000000e+00 : f32
      %broadcast_in_dim3A_383 = vector.broadcast %broadcast_in_dim3A_382 : f32 to vector<16xf32>
      %parallel_loop3A_384 = arith.constant 0 : i32
      %parallel_loop3A_385 = arith.constant 12288 : i32
      %parallel_loop3A_386 = arith.constant 128 : i32
      %parallel_loop3A_387:8 = scf.for %parallel_loop3A_458 = %parallel_loop3A_384 to %parallel_loop3A_385 step %parallel_loop3A_386 iter_args(%parallel_loop3A_459 = %broadcast_in_dim3A_369, %parallel_loop3A_460 = %broadcast_in_dim3A_371, %parallel_loop3A_461 = %broadcast_in_dim3A_373, %parallel_loop3A_462 = %broadcast_in_dim3A_375, %parallel_loop3A_463 = %broadcast_in_dim3A_377, %parallel_loop3A_464 = %broadcast_in_dim3A_379, %parallel_loop3A_465 = %broadcast_in_dim3A_381, %parallel_loop3A_466 = %broadcast_in_dim3A_383) -> (vector<16xf32>, vector<16xf32>, vector<16xf32>, vector<16xf32>, vector<16xf32>, vector<16xf32>, vector<16xf32>, vector<16xf32>)  : i32 {
        %parallel_loop3A_467 = arith.addi %mul3A_367, %parallel_loop3A_458 : i32
        %parallel_loop3A_468 = arith.constant 0 : i32
        %parallel_loop3A_469 = arith.addi %parallel_loop3A_467, %parallel_loop3A_468 : i32
        %parallel_loop3A_470 = arith.index_cast %parallel_loop3A_469 : i32 to index
        %parallel_loop3A_471 = tpu.vector_load %arg5[%parallel_loop3A_470] {strides = array<i32>} : memref<24576xf32, #tpu.memory_space<vmem>>, vector<16xf32>,
        %parallel_loop3A_472 = vector.shape_cast %parallel_loop3A_471 : vector<16xf32> to vector<16xf32>
        %parallel_loop3A_473 = arith.subf %parallel_loop3A_472, %max3A_365 : vector<16xf32>
        %parallel_loop3A_474 = math.exp %parallel_loop3A_473 : vector<16xf32>
        %parallel_loop3A_475 = arith.addf %parallel_loop3A_459, %parallel_loop3A_474 : vector<16xf32>
        %parallel_loop3A_476 = arith.addi %mul3A_367, %parallel_loop3A_458 : i32
        %parallel_loop3A_477 = arith.constant 16 : i32
        %parallel_loop3A_478 = arith.addi %parallel_loop3A_476, %parallel_loop3A_477 : i32
        %parallel_loop3A_479 = arith.index_cast %parallel_loop3A_478 : i32 to index
        %parallel_loop3A_480 = tpu.vector_load %arg5[%parallel_loop3A_479] {strides = array<i32>} : memref<24576xf32, #tpu.memory_space<vmem>>, vector<16xf32>,
        %parallel_loop3A_481 = vector.shape_cast %parallel_loop3A_480 : vector<16xf32> to vector<16xf32>
        %parallel_loop3A_482 = arith.subf %parallel_loop3A_481, %max3A_365 : vector<16xf32>
        %parallel_loop3A_483 = math.exp %parallel_loop3A_482 : vector<16xf32>
        %parallel_loop3A_484 = arith.addf %parallel_loop3A_460, %parallel_loop3A_483 : vector<16xf32>
        %parallel_loop3A_485 = arith.addi %mul3A_367, %parallel_loop3A_458 : i32
        %parallel_loop3A_486 = arith.constant 32 : i32
        %parallel_loop3A_487 = arith.addi %parallel_loop3A_485, %parallel_loop3A_486 : i32
        %parallel_loop3A_488 = arith.index_cast %parallel_loop3A_487 : i32 to index
        %parallel_loop3A_489 = tpu.vector_load %arg5[%parallel_loop3A_488] {strides = array<i32>} : memref<24576xf32, #tpu.memory_space<vmem>>, vector<16xf32>,
        %parallel_loop3A_490 = vector.shape_cast %parallel_loop3A_489 : vector<16xf32> to vector<16xf32>
        %parallel_loop3A_491 = arith.subf %parallel_loop3A_490, %max3A_365 : vector<16xf32>
        %parallel_loop3A_492 = math.exp %parallel_loop3A_491 : vector<16xf32>
        %parallel_loop3A_493 = arith.addf %parallel_loop3A_461, %parallel_loop3A_492 : vector<16xf32>
        %parallel_loop3A_494 = arith.addi %mul3A_367, %parallel_loop3A_458 : i32
        %parallel_loop3A_495 = arith.constant 48 : i32
        %parallel_loop3A_496 = arith.addi %parallel_loop3A_494, %parallel_loop3A_495 : i32
        %parallel_loop3A_497 = arith.index_cast %parallel_loop3A_496 : i32 to index
        %parallel_loop3A_498 = tpu.vector_load %arg5[%parallel_loop3A_497] {strides = array<i32>} : memref<24576xf32, #tpu.memory_space<vmem>>, vector<16xf32>,
        %parallel_loop3A_499 = vector.shape_cast %parallel_loop3A_498 : vector<16xf32> to vector<16xf32>
        %parallel_loop3A_500 = arith.subf %parallel_loop3A_499, %max3A_365 : vector<16xf32>
        %parallel_loop3A_501 = math.exp %parallel_loop3A_500 : vector<16xf32>
        %parallel_loop3A_502 = arith.addf %parallel_loop3A_462, %parallel_loop3A_501 : vector<16xf32>
        %parallel_loop3A_503 = arith.addi %mul3A_367, %parallel_loop3A_458 : i32
        %parallel_loop3A_504 = arith.constant 64 : i32
        %parallel_loop3A_505 = arith.addi %parallel_loop3A_503, %parallel_loop3A_504 : i32
        %parallel_loop3A_506 = arith.index_cast %parallel_loop3A_505 : i32 to index
        %parallel_loop3A_507 = tpu.vector_load %arg5[%parallel_loop3A_506] {strides = array<i32>} : memref<24576xf32, #tpu.memory_space<vmem>>, vector<16xf32>,
        %parallel_loop3A_508 = vector.shape_cast %parallel_loop3A_507 : vector<16xf32> to vector<16xf32>
        %parallel_loop3A_509 = arith.subf %parallel_loop3A_508, %max3A_365 : vector<16xf32>
        %parallel_loop3A_510 = math.exp %parallel_loop3A_509 : vector<16xf32>
        %parallel_loop3A_511 = arith.addf %parallel_loop3A_463, %parallel_loop3A_510 : vector<16xf32>
        %parallel_loop3A_512 = arith.addi %mul3A_367, %parallel_loop3A_458 : i32
        %parallel_loop3A_513 = arith.constant 80 : i32
        %parallel_loop3A_514 = arith.addi %parallel_loop3A_512, %parallel_loop3A_513 : i32
        %parallel_loop3A_515 = arith.index_cast %parallel_loop3A_514 : i32 to index
        %parallel_loop3A_516 = tpu.vector_load %arg5[%parallel_loop3A_515] {strides = array<i32>} : memref<24576xf32, #tpu.memory_space<vmem>>, vector<16xf32>,
        %parallel_loop3A_517 = vector.shape_cast %parallel_loop3A_516 : vector<16xf32> to vector<16xf32>
        %parallel_loop3A_518 = arith.subf %parallel_loop3A_517, %max3A_365 : vector<16xf32>
        %parallel_loop3A_519 = math.exp %parallel_loop3A_518 : vector<16xf32>
        %parallel_loop3A_520 = arith.addf %parallel_loop3A_464, %parallel_loop3A_519 : vector<16xf32>
        %parallel_loop3A_521 = arith.addi %mul3A_367, %parallel_loop3A_458 : i32
        %parallel_loop3A_522 = arith.constant 96 : i32
        %parallel_loop3A_523 = arith.addi %parallel_loop3A_521, %parallel_loop3A_522 : i32
        %parallel_loop3A_524 = arith.index_cast %parallel_loop3A_523 : i32 to index
        %parallel_loop3A_525 = tpu.vector_load %arg5[%parallel_loop3A_524] {strides = array<i32>} : memref<24576xf32, #tpu.memory_space<vmem>>, vector<16xf32>,
        %parallel_loop3A_526 = vector.shape_cast %parallel_loop3A_525 : vector<16xf32> to vector<16xf32>
        %parallel_loop3A_527 = arith.subf %parallel_loop3A_526, %max3A_365 : vector<16xf32>
        %parallel_loop3A_528 = math.exp %parallel_loop3A_527 : vector<16xf32>
        %parallel_loop3A_529 = arith.addf %parallel_loop3A_465, %parallel_loop3A_528 : vector<16xf32>
        %parallel_loop3A_530 = arith.addi %mul3A_367, %parallel_loop3A_458 : i32
        %parallel_loop3A_531 = arith.constant 112 : i32
        %parallel_loop3A_532 = arith.addi %parallel_loop3A_530, %parallel_loop3A_531 : i32
        %parallel_loop3A_533 = arith.index_cast %parallel_loop3A_532 : i32 to index
        %parallel_loop3A_534 = tpu.vector_load %arg5[%parallel_loop3A_533] {strides = array<i32>} : memref<24576xf32, #tpu.memory_space<vmem>>, vector<16xf32>,
        %parallel_loop3A_535 = vector.shape_cast %parallel_loop3A_534 : vector<16xf32> to vector<16xf32>
        %parallel_loop3A_536 = arith.subf %parallel_loop3A_535, %max3A_365 : vector<16xf32>
        %parallel_loop3A_537 = math.exp %parallel_loop3A_536 : vector<16xf32>
        %parallel_loop3A_538 = arith.addf %parallel_loop3A_466, %parallel_loop3A_537 : vector<16xf32>
        scf.yield %parallel_loop3A_475, %parallel_loop3A_484, %parallel_loop3A_493, %parallel_loop3A_502, %parallel_loop3A_511, %parallel_loop3A_520, %parallel_loop3A_529, %parallel_loop3A_538 : vector<16xf32>, vector<16xf32>, vector<16xf32>, vector<16xf32>, vector<16xf32>, vector<16xf32>, vector<16xf32>, vector<16xf32>
      } {sc.loop_unroll_factor = 2 : i64, sc.parallel_access}
      %add3A_388 = arith.addf %parallel_loop3A_387#0, %parallel_loop3A_387#1 : vector<16xf32>
      %add3A_389 = arith.addf %add3A_388, %parallel_loop3A_387#2 : vector<16xf32>
      %add3A_390 = arith.addf %add3A_389, %parallel_loop3A_387#3 : vector<16xf32>
      %add3A_391 = arith.addf %add3A_390, %parallel_loop3A_387#4 : vector<16xf32>
      %add3A_392 = arith.addf %add3A_391, %parallel_loop3A_387#5 : vector<16xf32>
      %add3A_393 = arith.addf %add3A_392, %parallel_loop3A_387#6 : vector<16xf32>
      %add3A_394 = arith.addf %add3A_393, %parallel_loop3A_387#7 : vector<16xf32>
      %iota3A_395 = tpu.iota {dimensions = array<i32: 0>} : vector<16xi32>
      %xor3A_396 = arith.constant 8 : i32
      %xor3A_397 = vector.broadcast %xor3A_396 : i32 to vector<16xi32>
      %xor3A_398 = arith.xori %iota3A_395, %xor3A_397 : vector<16xi32>
      %lt3A_399 = arith.constant 0 : i32
      %lt3A_400 = vector.broadcast %lt3A_399 : i32 to vector<16xi32>
      %lt3A_401 = arith.cmpi slt, %xor3A_398, %lt3A_400 : vector<16xi32>
      %add3A_402 = arith.constant 16 : i32
      %add3A_403 = vector.broadcast %add3A_402 : i32 to vector<16xi32>
      %add3A_404 = arith.addi %xor3A_398, %add3A_403 : vector<16xi32>
      %select_n3A_405 = arith.select %lt3A_401, %add3A_404, %xor3A_398 : vector<16xi1>, vector<16xi32>
      %broadcast_in_dim3A_406 = vector.shape_cast %select_n3A_405 : vector<16xi32> to vector<16x1xi32>
      %gather3A_407 = vector.shape_cast %broadcast_in_dim3A_406 : vector<16x1xi32> to vector<16xi32>
      %gather3A_408 = tpu.dynamic_gather %add3A_394[%gather3A_407] in [0] : vector<16xf32>, vector<16xi32> -> vector<16xf32>
      %add3A_409 = arith.addf %add3A_394, %gather3A_408 : vector<16xf32>
      %xor3A_410 = arith.constant 4 : i32
      %xor3A_411 = vector.broadcast %xor3A_410 : i32 to vector<16xi32>
      %xor3A_412 = arith.xori %iota3A_395, %xor3A_411 : vector<16xi32>
      %lt3A_413 = arith.constant 0 : i32
      %lt3A_414 = vector.broadcast %lt3A_413 : i32 to vector<16xi32>
      %lt3A_415 = arith.cmpi slt, %xor3A_412, %lt3A_414 : vector<16xi32>
      %add3A_416 = arith.constant 16 : i32
      %add3A_417 = vector.broadcast %add3A_416 : i32 to vector<16xi32>
      %add3A_418 = arith.addi %xor3A_412, %add3A_417 : vector<16xi32>
      %select_n3A_419 = arith.select %lt3A_415, %add3A_418, %xor3A_412 : vector<16xi1>, vector<16xi32>
      %broadcast_in_dim3A_420 = vector.shape_cast %select_n3A_419 : vector<16xi32> to vector<16x1xi32>
      %gather3A_421 = vector.shape_cast %broadcast_in_dim3A_420 : vector<16x1xi32> to vector<16xi32>
      %gather3A_422 = tpu.dynamic_gather %add3A_409[%gather3A_421] in [0] : vector<16xf32>, vector<16xi32> -> vector<16xf32>
      %add3A_423 = arith.addf %add3A_409, %gather3A_422 : vector<16xf32>
      %xor3A_424 = arith.constant 2 : i32
      %xor3A_425 = vector.broadcast %xor3A_424 : i32 to vector<16xi32>
      %xor3A_426 = arith.xori %iota3A_395, %xor3A_425 : vector<16xi32>
      %lt3A_427 = arith.constant 0 : i32
      %lt3A_428 = vector.broadcast %lt3A_427 : i32 to vector<16xi32>
      %lt3A_429 = arith.cmpi slt, %xor3A_426, %lt3A_428 : vector<16xi32>
      %add3A_430 = arith.constant 16 : i32
      %add3A_431 = vector.broadcast %add3A_430 : i32 to vector<16xi32>
      %add3A_432 = arith.addi %xor3A_426, %add3A_431 : vector<16xi32>
      %select_n3A_433 = arith.select %lt3A_429, %add3A_432, %xor3A_426 : vector<16xi1>, vector<16xi32>
      %broadcast_in_dim3A_434 = vector.shape_cast %select_n3A_433 : vector<16xi32> to vector<16x1xi32>
      %gather3A_435 = vector.shape_cast %broadcast_in_dim3A_434 : vector<16x1xi32> to vector<16xi32>
      %gather3A_436 = tpu.dynamic_gather %add3A_423[%gather3A_435] in [0] : vector<16xf32>, vector<16xi32> -> vector<16xf32>
      %add3A_437 = arith.addf %add3A_423, %gather3A_436 : vector<16xf32>
      %xor3A_438 = arith.constant 1 : i32
      %xor3A_439 = vector.broadcast %xor3A_438 : i32 to vector<16xi32>
      %xor3A_440 = arith.xori %iota3A_395, %xor3A_439 : vector<16xi32>
      %lt3A_441 = arith.constant 0 : i32
      %lt3A_442 = vector.broadcast %lt3A_441 : i32 to vector<16xi32>
      %lt3A_443 = arith.cmpi slt, %xor3A_440, %lt3A_442 : vector<16xi32>
      %add3A_444 = arith.constant 16 : i32
      %add3A_445 = vector.broadcast %add3A_444 : i32 to vector<16xi32>
      %add3A_446 = arith.addi %xor3A_440, %add3A_445 : vector<16xi32>
      %select_n3A_447 = arith.select %lt3A_443, %add3A_446, %xor3A_440 : vector<16xi1>, vector<16xi32>
      %broadcast_in_dim3A_448 = vector.shape_cast %select_n3A_447 : vector<16xi32> to vector<16x1xi32>
      %gather3A_449 = vector.shape_cast %broadcast_in_dim3A_448 : vector<16x1xi32> to vector<16xi32>
      %gather3A_450 = tpu.dynamic_gather %add3A_437[%gather3A_449] in [0] : vector<16xf32>, vector<16xi32> -> vector<16xf32>
      %add3A_451 = arith.addf %add3A_437, %gather3A_450 : vector<16xf32>
      %eq3A_452 = vector.broadcast %scan3A_254 : i32 to vector<16xi32>
      %eq3A_453 = arith.cmpi eq, %iota3A, %eq3A_452 : vector<16xi32>
      %select_n3A_454 = arith.select %eq3A_453, %add3A_451, %scan3A_255 : vector<16xi1>, vector<16xf32>
      %eq3A_455 = vector.broadcast %scan3A_254 : i32 to vector<16xi32>
      %eq3A_456 = arith.cmpi eq, %iota3A, %eq3A_455 : vector<16xi32>
      %select_n3A_457 = arith.select %eq3A_456, %max3A_365, %scan3A_256 : vector<16xi1>, vector<16xf32>
      scf.yield %select_n3A_454, %select_n3A_457 : vector<16xf32>, vector<16xf32>
    }
    %scan3A_246 = arith.constant 3 : i32
    %swap3A = arith.constant 0 : index
    %swap3A_247 = tpu.vector_load %arg6[%swap3A] {strides = array<i32>} : memref<16xf32, #tpu.memory_space<vmem>>, vector<16xf32>,
    %swap3A_248 = vector.shape_cast %swap3A_247 : vector<16xf32> to vector<16xf32>
    %swap3A_249 = vector.shape_cast %scan3A_245#0 : vector<16xf32> to vector<16xf32>
    tpu.vector_store %arg6[%swap3A], %swap3A_249 {strides = array<i32>} : memref<16xf32, #tpu.memory_space<vmem>>, vector<16xf32>,
    %swap3A_250 = arith.constant 0 : index
    %swap3A_251 = tpu.vector_load %arg7[%swap3A_250] {strides = array<i32>} : memref<16xf32, #tpu.memory_space<vmem>>, vector<16xf32>,
    %swap3A_252 = vector.shape_cast %swap3A_251 : vector<16xf32> to vector<16xf32>
    %swap3A_253 = vector.shape_cast %scan3A_245#1 : vector<16xf32> to vector<16xf32>
    tpu.vector_store %arg7[%swap3A_250], %swap3A_253 {strides = array<i32>} : memref<16xf32, #tpu.memory_space<vmem>>, vector<16xf32>,
    "tpu.region"() ({
      %run_scoped3A = tpu.sem_alloc : memref<!tpu.dma_semaphore, #tpu.memory_space<semaphore_mem>>
      %dma_start3A_254 = arith.constant 0 : i32
      %dma_start3A_255 = tpu.memref_slice %arg3[%add3A, %dma_start3A_254] : memref<32x16xf32, #tpu.memory_space<hbm>> -> memref<1x16xf32, #tpu.memory_space<hbm>>
      %dma_start3A_256 = tpu.memref_squeeze %dma_start3A_255 : memref<1x16xf32, #tpu.memory_space<hbm>> -> memref<16xf32, #tpu.memory_space<hbm>>
      %dma_start3A_257 = arith.constant 0 : i32
      %dma_start3A_258 = tpu.memref_slice %arg3[%add3A, %dma_start3A_257] : memref<32x16xf32, #tpu.memory_space<hbm>> -> memref<1x16xf32, #tpu.memory_space<hbm>>
      %dma_start3A_259 = tpu.memref_squeeze %dma_start3A_258 : memref<1x16xf32, #tpu.memory_space<hbm>> -> memref<16xf32, #tpu.memory_space<hbm>>
      tpu.enqueue_dma source(%arg6 : memref<16xf32, #tpu.memory_space<vmem>>) target(%dma_start3A_259 : memref<16xf32, #tpu.memory_space<hbm>>) target_semaphore(%run_scoped3A : memref<!tpu.dma_semaphore, #tpu.memory_space<semaphore_mem>>)
      %dma_wait3A_260 = arith.constant 0 : i32
      %dma_wait3A_261 = tpu.memref_slice %arg3[%add3A, %dma_wait3A_260] : memref<32x16xf32, #tpu.memory_space<hbm>> -> memref<1x16xf32, #tpu.memory_space<hbm>>
      %dma_wait3A_262 = tpu.memref_squeeze %dma_wait3A_261 : memref<1x16xf32, #tpu.memory_space<hbm>> -> memref<16xf32, #tpu.memory_space<hbm>>
      %dma_wait3A_263 = arith.constant 0 : i32
      %dma_wait3A_264 = tpu.memref_slice %arg3[%add3A, %dma_wait3A_263] : memref<32x16xf32, #tpu.memory_space<hbm>> -> memref<1x16xf32, #tpu.memory_space<hbm>>
      %dma_wait3A_265 = tpu.memref_squeeze %dma_wait3A_264 : memref<1x16xf32, #tpu.memory_space<hbm>> -> memref<16xf32, #tpu.memory_space<hbm>>
      tpu.wait_dma2 semaphore(%run_scoped3A : memref<!tpu.dma_semaphore, #tpu.memory_space<semaphore_mem>>) src(%arg6 : memref<16xf32, #tpu.memory_space<vmem>>) dst(%dma_wait3A_265 : memref<16xf32, #tpu.memory_space<hbm>>)
      tpu.yield
    }) : () -> ()
    "tpu.region"() ({
      %run_scoped3A = tpu.sem_alloc : memref<!tpu.dma_semaphore, #tpu.memory_space<semaphore_mem>>
      %dma_start3A_254 = arith.constant 0 : i32
      %dma_start3A_255 = tpu.memref_slice %arg4[%add3A, %dma_start3A_254] : memref<32x16xf32, #tpu.memory_space<hbm>> -> memref<1x16xf32, #tpu.memory_space<hbm>>
      %dma_start3A_256 = tpu.memref_squeeze %dma_start3A_255 : memref<1x16xf32, #tpu.memory_space<hbm>> -> memref<16xf32, #tpu.memory_space<hbm>>
      %dma_start3A_257 = arith.constant 0 : i32
      %dma_start3A_258 = tpu.memref_slice %arg4[%add3A, %dma_start3A_257] : memref<32x16xf32, #tpu.memory_space<hbm>> -> memref<1x16xf32, #tpu.memory_space<hbm>>
      %dma_start3A_259 = tpu.memref_squeeze %dma_start3A_258 : memref<1x16xf32, #tpu.memory_space<hbm>> -> memref<16xf32, #tpu.memory_space<hbm>>
      tpu.enqueue_dma source(%arg7 : memref<16xf32, #tpu.memory_space<vmem>>) target(%dma_start3A_259 : memref<16xf32, #tpu.memory_space<hbm>>) target_semaphore(%run_scoped3A : memref<!tpu.dma_semaphore, #tpu.memory_space<semaphore_mem>>)
      %dma_wait3A_260 = arith.constant 0 : i32
      %dma_wait3A_261 = tpu.memref_slice %arg4[%add3A, %dma_wait3A_260] : memref<32x16xf32, #tpu.memory_space<hbm>> -> memref<1x16xf32, #tpu.memory_space<hbm>>
      %dma_wait3A_262 = tpu.memref_squeeze %dma_wait3A_261 : memref<1x16xf32, #tpu.memory_space<hbm>> -> memref<16xf32, #tpu.memory_space<hbm>>
      %dma_wait3A_263 = arith.constant 0 : i32
      %dma_wait3A_264 = tpu.memref_slice %arg4[%add3A, %dma_wait3A_263] : memref<32x16xf32, #tpu.memory_space<hbm>> -> memref<1x16xf32, #tpu.memory_space<hbm>>
      %dma_wait3A_265 = tpu.memref_squeeze %dma_wait3A_264 : memref<1x16xf32, #tpu.memory_space<hbm>> -> memref<16xf32, #tpu.memory_space<hbm>>
      tpu.wait_dma2 semaphore(%run_scoped3A : memref<!tpu.dma_semaphore, #tpu.memory_space<semaphore_mem>>) src(%arg7 : memref<16xf32, #tpu.memory_space<vmem>>) dst(%dma_wait3A_265 : memref<16xf32, #tpu.memory_space<hbm>>)
      tpu.yield
    }) : () -> ()
    return
  }
}

module attributes {stable_mosaic.version = 14 : i64} {
  func.func @_tc_max_body(%arg0: i32, %arg1: memref<128x5120xf32, #tpu.memory_space<vmem>>, %arg2: memref<128x1xf32, #tpu.memory_space<vmem>>, %arg3: memref<128x128xf32, #tpu.memory_space<vmem>>) attributes {dimension_semantics = [#tpu.dimension_semantics<arbitrary>], iteration_bounds = array<i64: 4>, scalar_prefetch = 0 : i64, scratch_operands = 1 : i64, tpu.core_type = #tpu.core_type<tc>, window_params = [{transform_indices = @transform_0, window_bounds = array<i64: 128, 5120>}, {pipeline_mode = #tpu.pipeline_mode<synchronous>, transform_indices = @transform_1, window_bounds = array<i64: 128, 1>}]} {
    %get3A = arith.constant 0 : index
    %get3A_0 = arith.constant 0 : index
    %get3A_1 = vector.load %arg1[%get3A, %get3A_0] : memref<128x5120xf32, #tpu.memory_space<vmem>>, vector<128x128xf32>
    %get3A_2 = arith.constant 0 : index
    %get3A_3 = arith.constant 128 : index
    %get3A_4 = vector.load %arg1[%get3A_2, %get3A_3] : memref<128x5120xf32, #tpu.memory_space<vmem>>, vector<128x128xf32>
    %max3A = arith.maximumf %get3A_1, %get3A_4 : vector<128x128xf32>
    %get3A_5 = arith.constant 0 : index
    %get3A_6 = arith.constant 256 : index
    %get3A_7 = vector.load %arg1[%get3A_5, %get3A_6] : memref<128x5120xf32, #tpu.memory_space<vmem>>, vector<128x128xf32>
    %max3A_8 = arith.maximumf %max3A, %get3A_7 : vector<128x128xf32>
    %get3A_9 = arith.constant 0 : index
    %get3A_10 = arith.constant 384 : index
    %get3A_11 = vector.load %arg1[%get3A_9, %get3A_10] : memref<128x5120xf32, #tpu.memory_space<vmem>>, vector<128x128xf32>
    %max3A_12 = arith.maximumf %max3A_8, %get3A_11 : vector<128x128xf32>
    %get3A_13 = arith.constant 0 : index
    %get3A_14 = arith.constant 512 : index
    %get3A_15 = vector.load %arg1[%get3A_13, %get3A_14] : memref<128x5120xf32, #tpu.memory_space<vmem>>, vector<128x128xf32>
    %max3A_16 = arith.maximumf %max3A_12, %get3A_15 : vector<128x128xf32>
    %get3A_17 = arith.constant 0 : index
    %get3A_18 = arith.constant 640 : index
    %get3A_19 = vector.load %arg1[%get3A_17, %get3A_18] : memref<128x5120xf32, #tpu.memory_space<vmem>>, vector<128x128xf32>
    %max3A_20 = arith.maximumf %max3A_16, %get3A_19 : vector<128x128xf32>
    %get3A_21 = arith.constant 0 : index
    %get3A_22 = arith.constant 768 : index
    %get3A_23 = vector.load %arg1[%get3A_21, %get3A_22] : memref<128x5120xf32, #tpu.memory_space<vmem>>, vector<128x128xf32>
    %max3A_24 = arith.maximumf %max3A_20, %get3A_23 : vector<128x128xf32>
    %get3A_25 = arith.constant 0 : index
    %get3A_26 = arith.constant 896 : index
    %get3A_27 = vector.load %arg1[%get3A_25, %get3A_26] : memref<128x5120xf32, #tpu.memory_space<vmem>>, vector<128x128xf32>
    %max3A_28 = arith.maximumf %max3A_24, %get3A_27 : vector<128x128xf32>
    %get3A_29 = arith.constant 0 : index
    %get3A_30 = arith.constant 1024 : index
    %get3A_31 = vector.load %arg1[%get3A_29, %get3A_30] : memref<128x5120xf32, #tpu.memory_space<vmem>>, vector<128x128xf32>
    %max3A_32 = arith.maximumf %max3A_28, %get3A_31 : vector<128x128xf32>
    %get3A_33 = arith.constant 0 : index
    %get3A_34 = arith.constant 1152 : index
    %get3A_35 = vector.load %arg1[%get3A_33, %get3A_34] : memref<128x5120xf32, #tpu.memory_space<vmem>>, vector<128x128xf32>
    %max3A_36 = arith.maximumf %max3A_32, %get3A_35 : vector<128x128xf32>
    %get3A_37 = arith.constant 0 : index
    %get3A_38 = arith.constant 1280 : index
    %get3A_39 = vector.load %arg1[%get3A_37, %get3A_38] : memref<128x5120xf32, #tpu.memory_space<vmem>>, vector<128x128xf32>
    %max3A_40 = arith.maximumf %max3A_36, %get3A_39 : vector<128x128xf32>
    %get3A_41 = arith.constant 0 : index
    %get3A_42 = arith.constant 1408 : index
    %get3A_43 = vector.load %arg1[%get3A_41, %get3A_42] : memref<128x5120xf32, #tpu.memory_space<vmem>>, vector<128x128xf32>
    %max3A_44 = arith.maximumf %max3A_40, %get3A_43 : vector<128x128xf32>
    %get3A_45 = arith.constant 0 : index
    %get3A_46 = arith.constant 1536 : index
    %get3A_47 = vector.load %arg1[%get3A_45, %get3A_46] : memref<128x5120xf32, #tpu.memory_space<vmem>>, vector<128x128xf32>
    %max3A_48 = arith.maximumf %max3A_44, %get3A_47 : vector<128x128xf32>
    %get3A_49 = arith.constant 0 : index
    %get3A_50 = arith.constant 1664 : index
    %get3A_51 = vector.load %arg1[%get3A_49, %get3A_50] : memref<128x5120xf32, #tpu.memory_space<vmem>>, vector<128x128xf32>
    %max3A_52 = arith.maximumf %max3A_48, %get3A_51 : vector<128x128xf32>
    %get3A_53 = arith.constant 0 : index
    %get3A_54 = arith.constant 1792 : index
    %get3A_55 = vector.load %arg1[%get3A_53, %get3A_54] : memref<128x5120xf32, #tpu.memory_space<vmem>>, vector<128x128xf32>
    %max3A_56 = arith.maximumf %max3A_52, %get3A_55 : vector<128x128xf32>
    %get3A_57 = arith.constant 0 : index
    %get3A_58 = arith.constant 1920 : index
    %get3A_59 = vector.load %arg1[%get3A_57, %get3A_58] : memref<128x5120xf32, #tpu.memory_space<vmem>>, vector<128x128xf32>
    %max3A_60 = arith.maximumf %max3A_56, %get3A_59 : vector<128x128xf32>
    %get3A_61 = arith.constant 0 : index
    %get3A_62 = arith.constant 2048 : index
    %get3A_63 = vector.load %arg1[%get3A_61, %get3A_62] : memref<128x5120xf32, #tpu.memory_space<vmem>>, vector<128x128xf32>
    %max3A_64 = arith.maximumf %max3A_60, %get3A_63 : vector<128x128xf32>
    %get3A_65 = arith.constant 0 : index
    %get3A_66 = arith.constant 2176 : index
    %get3A_67 = vector.load %arg1[%get3A_65, %get3A_66] : memref<128x5120xf32, #tpu.memory_space<vmem>>, vector<128x128xf32>
    %max3A_68 = arith.maximumf %max3A_64, %get3A_67 : vector<128x128xf32>
    %get3A_69 = arith.constant 0 : index
    %get3A_70 = arith.constant 2304 : index
    %get3A_71 = vector.load %arg1[%get3A_69, %get3A_70] : memref<128x5120xf32, #tpu.memory_space<vmem>>, vector<128x128xf32>
    %max3A_72 = arith.maximumf %max3A_68, %get3A_71 : vector<128x128xf32>
    %get3A_73 = arith.constant 0 : index
    %get3A_74 = arith.constant 2432 : index
    %get3A_75 = vector.load %arg1[%get3A_73, %get3A_74] : memref<128x5120xf32, #tpu.memory_space<vmem>>, vector<128x128xf32>
    %max3A_76 = arith.maximumf %max3A_72, %get3A_75 : vector<128x128xf32>
    %get3A_77 = arith.constant 0 : index
    %get3A_78 = arith.constant 2560 : index
    %get3A_79 = vector.load %arg1[%get3A_77, %get3A_78] : memref<128x5120xf32, #tpu.memory_space<vmem>>, vector<128x128xf32>
    %max3A_80 = arith.maximumf %max3A_76, %get3A_79 : vector<128x128xf32>
    %get3A_81 = arith.constant 0 : index
    %get3A_82 = arith.constant 2688 : index
    %get3A_83 = vector.load %arg1[%get3A_81, %get3A_82] : memref<128x5120xf32, #tpu.memory_space<vmem>>, vector<128x128xf32>
    %max3A_84 = arith.maximumf %max3A_80, %get3A_83 : vector<128x128xf32>
    %get3A_85 = arith.constant 0 : index
    %get3A_86 = arith.constant 2816 : index
    %get3A_87 = vector.load %arg1[%get3A_85, %get3A_86] : memref<128x5120xf32, #tpu.memory_space<vmem>>, vector<128x128xf32>
    %max3A_88 = arith.maximumf %max3A_84, %get3A_87 : vector<128x128xf32>
    %get3A_89 = arith.constant 0 : index
    %get3A_90 = arith.constant 2944 : index
    %get3A_91 = vector.load %arg1[%get3A_89, %get3A_90] : memref<128x5120xf32, #tpu.memory_space<vmem>>, vector<128x128xf32>
    %max3A_92 = arith.maximumf %max3A_88, %get3A_91 : vector<128x128xf32>
    %get3A_93 = arith.constant 0 : index
    %get3A_94 = arith.constant 3072 : index
    %get3A_95 = vector.load %arg1[%get3A_93, %get3A_94] : memref<128x5120xf32, #tpu.memory_space<vmem>>, vector<128x128xf32>
    %max3A_96 = arith.maximumf %max3A_92, %get3A_95 : vector<128x128xf32>
    %get3A_97 = arith.constant 0 : index
    %get3A_98 = arith.constant 3200 : index
    %get3A_99 = vector.load %arg1[%get3A_97, %get3A_98] : memref<128x5120xf32, #tpu.memory_space<vmem>>, vector<128x128xf32>
    %max3A_100 = arith.maximumf %max3A_96, %get3A_99 : vector<128x128xf32>
    %get3A_101 = arith.constant 0 : index
    %get3A_102 = arith.constant 3328 : index
    %get3A_103 = vector.load %arg1[%get3A_101, %get3A_102] : memref<128x5120xf32, #tpu.memory_space<vmem>>, vector<128x128xf32>
    %max3A_104 = arith.maximumf %max3A_100, %get3A_103 : vector<128x128xf32>
    %get3A_105 = arith.constant 0 : index
    %get3A_106 = arith.constant 3456 : index
    %get3A_107 = vector.load %arg1[%get3A_105, %get3A_106] : memref<128x5120xf32, #tpu.memory_space<vmem>>, vector<128x128xf32>
    %max3A_108 = arith.maximumf %max3A_104, %get3A_107 : vector<128x128xf32>
    %get3A_109 = arith.constant 0 : index
    %get3A_110 = arith.constant 3584 : index
    %get3A_111 = vector.load %arg1[%get3A_109, %get3A_110] : memref<128x5120xf32, #tpu.memory_space<vmem>>, vector<128x128xf32>
    %max3A_112 = arith.maximumf %max3A_108, %get3A_111 : vector<128x128xf32>
    %get3A_113 = arith.constant 0 : index
    %get3A_114 = arith.constant 3712 : index
    %get3A_115 = vector.load %arg1[%get3A_113, %get3A_114] : memref<128x5120xf32, #tpu.memory_space<vmem>>, vector<128x128xf32>
    %max3A_116 = arith.maximumf %max3A_112, %get3A_115 : vector<128x128xf32>
    %get3A_117 = arith.constant 0 : index
    %get3A_118 = arith.constant 3840 : index
    %get3A_119 = vector.load %arg1[%get3A_117, %get3A_118] : memref<128x5120xf32, #tpu.memory_space<vmem>>, vector<128x128xf32>
    %max3A_120 = arith.maximumf %max3A_116, %get3A_119 : vector<128x128xf32>
    %get3A_121 = arith.constant 0 : index
    %get3A_122 = arith.constant 3968 : index
    %get3A_123 = vector.load %arg1[%get3A_121, %get3A_122] : memref<128x5120xf32, #tpu.memory_space<vmem>>, vector<128x128xf32>
    %max3A_124 = arith.maximumf %max3A_120, %get3A_123 : vector<128x128xf32>
    %get3A_125 = arith.constant 0 : index
    %get3A_126 = arith.constant 4096 : index
    %get3A_127 = vector.load %arg1[%get3A_125, %get3A_126] : memref<128x5120xf32, #tpu.memory_space<vmem>>, vector<128x128xf32>
    %max3A_128 = arith.maximumf %max3A_124, %get3A_127 : vector<128x128xf32>
    %get3A_129 = arith.constant 0 : index
    %get3A_130 = arith.constant 4224 : index
    %get3A_131 = vector.load %arg1[%get3A_129, %get3A_130] : memref<128x5120xf32, #tpu.memory_space<vmem>>, vector<128x128xf32>
    %max3A_132 = arith.maximumf %max3A_128, %get3A_131 : vector<128x128xf32>
    %get3A_133 = arith.constant 0 : index
    %get3A_134 = arith.constant 4352 : index
    %get3A_135 = vector.load %arg1[%get3A_133, %get3A_134] : memref<128x5120xf32, #tpu.memory_space<vmem>>, vector<128x128xf32>
    %max3A_136 = arith.maximumf %max3A_132, %get3A_135 : vector<128x128xf32>
    %get3A_137 = arith.constant 0 : index
    %get3A_138 = arith.constant 4480 : index
    %get3A_139 = vector.load %arg1[%get3A_137, %get3A_138] : memref<128x5120xf32, #tpu.memory_space<vmem>>, vector<128x128xf32>
    %max3A_140 = arith.maximumf %max3A_136, %get3A_139 : vector<128x128xf32>
    %get3A_141 = arith.constant 0 : index
    %get3A_142 = arith.constant 4608 : index
    %get3A_143 = vector.load %arg1[%get3A_141, %get3A_142] : memref<128x5120xf32, #tpu.memory_space<vmem>>, vector<128x128xf32>
    %max3A_144 = arith.maximumf %max3A_140, %get3A_143 : vector<128x128xf32>
    %get3A_145 = arith.constant 0 : index
    %get3A_146 = arith.constant 4736 : index
    %get3A_147 = vector.load %arg1[%get3A_145, %get3A_146] : memref<128x5120xf32, #tpu.memory_space<vmem>>, vector<128x128xf32>
    %max3A_148 = arith.maximumf %max3A_144, %get3A_147 : vector<128x128xf32>
    %get3A_149 = arith.constant 0 : index
    %get3A_150 = arith.constant 4864 : index
    %get3A_151 = vector.load %arg1[%get3A_149, %get3A_150] : memref<128x5120xf32, #tpu.memory_space<vmem>>, vector<128x128xf32>
    %max3A_152 = arith.maximumf %max3A_148, %get3A_151 : vector<128x128xf32>
    %get3A_153 = arith.constant 0 : index
    %get3A_154 = arith.constant 4992 : index
    %get3A_155 = vector.load %arg1[%get3A_153, %get3A_154] : memref<128x5120xf32, #tpu.memory_space<vmem>>, vector<128x128xf32>
    %max3A_156 = arith.maximumf %max3A_152, %get3A_155 : vector<128x128xf32>
    %eq3A = arith.constant 0 : i32
    %eq3A_157 = arith.cmpi eq, %arg0, %eq3A : i32
    %convert_element_type3A = arith.extui %eq3A_157 : i1 to i32
    %cond3A = arith.constant 0 : i32
    %cond3A_158 = arith.cmpi ne, %convert_element_type3A, %cond3A : i32
    scf.if %cond3A_158 {
      %swap3A = arith.constant 0 : index
      %swap3A_168 = arith.constant 0 : index
      %swap3A_169 = vector.load %arg3[%swap3A, %swap3A_168] : memref<128x128xf32, #tpu.memory_space<vmem>>, vector<128x128xf32>
      tpu.vector_store %arg3[%swap3A, %swap3A_168], %max3A_156 {strides = array<i32>} : memref<128x128xf32, #tpu.memory_space<vmem>>, vector<128x128xf32>,
    } else {
    }
    %gt3A = arith.constant 0 : i32
    %gt3A_159 = arith.cmpi sgt, %arg0, %gt3A : i32
    %convert_element_type3A_160 = arith.extui %gt3A_159 : i1 to i32
    %cond3A_161 = arith.constant 0 : i32
    %cond3A_162 = arith.cmpi ne, %convert_element_type3A_160, %cond3A_161 : i32
    scf.if %cond3A_162 {
      %get3A_168 = arith.constant 0 : index
      %get3A_169 = arith.constant 0 : index
      %get3A_170 = vector.load %arg3[%get3A_168, %get3A_169] : memref<128x128xf32, #tpu.memory_space<vmem>>, vector<128x128xf32>
      %max3A_171 = arith.maximumf %get3A_170, %max3A_156 : vector<128x128xf32>
      %swap3A = arith.constant 0 : index
      %swap3A_172 = arith.constant 0 : index
      %swap3A_173 = vector.load %arg3[%swap3A, %swap3A_172] : memref<128x128xf32, #tpu.memory_space<vmem>>, vector<128x128xf32>
      tpu.vector_store %arg3[%swap3A, %swap3A_172], %max3A_171 {strides = array<i32>} : memref<128x128xf32, #tpu.memory_space<vmem>>, vector<128x128xf32>,
    } else {
    }
    %eq3A_163 = arith.constant 3 : i32
    %eq3A_164 = arith.cmpi eq, %arg0, %eq3A_163 : i32
    %convert_element_type3A_165 = arith.extui %eq3A_164 : i1 to i32
    %cond3A_166 = arith.constant 0 : i32
    %cond3A_167 = arith.cmpi ne, %convert_element_type3A_165, %cond3A_166 : i32
    scf.if %cond3A_167 {
      %get3A_168 = arith.constant 0 : index
      %get3A_169 = arith.constant 0 : index
      %get3A_170 = vector.load %arg3[%get3A_168, %get3A_169] : memref<128x128xf32, #tpu.memory_space<vmem>>, vector<128x128xf32>
      %reduce_max3A = arith.constant dense<0xFF800000> : vector<128xf32>
      %reduce_max3A_171 = vector.multi_reduction <maximumf>, %get3A_170, %reduce_max3A [1] : vector<128x128xf32> to vector<128xf32>
      %broadcast_in_dim3A = vector.shape_cast %reduce_max3A_171 : vector<128xf32> to vector<128x1xf32>
      %swap3A = arith.constant 0 : index
      %swap3A_172 = arith.constant 0 : index
      %swap3A_173 = vector.load %arg2[%swap3A, %swap3A_172] : memref<128x1xf32, #tpu.memory_space<vmem>>, vector<128x1xf32>
      tpu.vector_store %arg2[%swap3A, %swap3A_172], %broadcast_in_dim3A {strides = array<i32>} : memref<128x1xf32, #tpu.memory_space<vmem>>, vector<128x1xf32>,
    } else {
    }
    return
  }
  func.func @transform_0(%arg0: i32) -> (i32, i32) {
    %c0_i32 = arith.constant 0 : i32
    %c0_i32_0 = arith.constant 0 : i32
    return %c0_i32, %arg0 : i32, i32
  }
  func.func @transform_1(%arg0: i32) -> (i32, i32) {
    %c0_i32 = arith.constant 0 : i32
    %c0_i32_0 = arith.constant 0 : i32
    %c0_i32_1 = arith.constant 0 : i32
    return %c0_i32, %c0_i32_0 : i32, i32
  }
}

module attributes {stable_mosaic.version = 14 : i64} {
  func.func @_tc_sumexp_body(%arg0: i32, %arg1: memref<128x4096xf32, #tpu.memory_space<vmem>>, %arg2: memref<128x1xf32, #tpu.memory_space<vmem>>, %arg3: memref<128x1xf32, #tpu.memory_space<vmem>>, %arg4: memref<128x128xf32, #tpu.memory_space<vmem>>) attributes {dimension_semantics = [#tpu.dimension_semantics<arbitrary>], iteration_bounds = array<i64: 5>, scalar_prefetch = 0 : i64, scratch_operands = 1 : i64, tpu.core_type = #tpu.core_type<tc>, window_params = [{transform_indices = @transform_0, window_bounds = array<i64: 128, 4096>}, {pipeline_mode = #tpu.pipeline_mode<synchronous>, transform_indices = @transform_1, window_bounds = array<i64: 128, 1>}, {pipeline_mode = #tpu.pipeline_mode<synchronous>, transform_indices = @transform_2, window_bounds = array<i64: 128, 1>}]} {
    %get3A = arith.constant 0 : index
    %get3A_0 = arith.constant 0 : index
    %get3A_1 = vector.load %arg2[%get3A, %get3A_0] : memref<128x1xf32, #tpu.memory_space<vmem>>, vector<128x1xf32>
    %get3A_2 = arith.constant 0 : index
    %get3A_3 = arith.constant 0 : index
    %get3A_4 = vector.load %arg1[%get3A_2, %get3A_3] : memref<128x4096xf32, #tpu.memory_space<vmem>>, vector<128x128xf32>
    %sub3A = vector.broadcast %get3A_1 : vector<128x1xf32> to vector<128x128xf32>
    %sub3A_5 = arith.subf %get3A_4, %sub3A : vector<128x128xf32>
    %exp3A = math.exp %sub3A_5 : vector<128x128xf32>
    %get3A_6 = arith.constant 0 : index
    %get3A_7 = arith.constant 128 : index
    %get3A_8 = vector.load %arg1[%get3A_6, %get3A_7] : memref<128x4096xf32, #tpu.memory_space<vmem>>, vector<128x128xf32>
    %sub3A_9 = vector.broadcast %get3A_1 : vector<128x1xf32> to vector<128x128xf32>
    %sub3A_10 = arith.subf %get3A_8, %sub3A_9 : vector<128x128xf32>
    %exp3A_11 = math.exp %sub3A_10 : vector<128x128xf32>
    %add3A = arith.addf %exp3A, %exp3A_11 : vector<128x128xf32>
    %get3A_12 = arith.constant 0 : index
    %get3A_13 = arith.constant 256 : index
    %get3A_14 = vector.load %arg1[%get3A_12, %get3A_13] : memref<128x4096xf32, #tpu.memory_space<vmem>>, vector<128x128xf32>
    %sub3A_15 = vector.broadcast %get3A_1 : vector<128x1xf32> to vector<128x128xf32>
    %sub3A_16 = arith.subf %get3A_14, %sub3A_15 : vector<128x128xf32>
    %exp3A_17 = math.exp %sub3A_16 : vector<128x128xf32>
    %add3A_18 = arith.addf %add3A, %exp3A_17 : vector<128x128xf32>
    %get3A_19 = arith.constant 0 : index
    %get3A_20 = arith.constant 384 : index
    %get3A_21 = vector.load %arg1[%get3A_19, %get3A_20] : memref<128x4096xf32, #tpu.memory_space<vmem>>, vector<128x128xf32>
    %sub3A_22 = vector.broadcast %get3A_1 : vector<128x1xf32> to vector<128x128xf32>
    %sub3A_23 = arith.subf %get3A_21, %sub3A_22 : vector<128x128xf32>
    %exp3A_24 = math.exp %sub3A_23 : vector<128x128xf32>
    %add3A_25 = arith.addf %add3A_18, %exp3A_24 : vector<128x128xf32>
    %get3A_26 = arith.constant 0 : index
    %get3A_27 = arith.constant 512 : index
    %get3A_28 = vector.load %arg1[%get3A_26, %get3A_27] : memref<128x4096xf32, #tpu.memory_space<vmem>>, vector<128x128xf32>
    %sub3A_29 = vector.broadcast %get3A_1 : vector<128x1xf32> to vector<128x128xf32>
    %sub3A_30 = arith.subf %get3A_28, %sub3A_29 : vector<128x128xf32>
    %exp3A_31 = math.exp %sub3A_30 : vector<128x128xf32>
    %add3A_32 = arith.addf %add3A_25, %exp3A_31 : vector<128x128xf32>
    %get3A_33 = arith.constant 0 : index
    %get3A_34 = arith.constant 640 : index
    %get3A_35 = vector.load %arg1[%get3A_33, %get3A_34] : memref<128x4096xf32, #tpu.memory_space<vmem>>, vector<128x128xf32>
    %sub3A_36 = vector.broadcast %get3A_1 : vector<128x1xf32> to vector<128x128xf32>
    %sub3A_37 = arith.subf %get3A_35, %sub3A_36 : vector<128x128xf32>
    %exp3A_38 = math.exp %sub3A_37 : vector<128x128xf32>
    %add3A_39 = arith.addf %add3A_32, %exp3A_38 : vector<128x128xf32>
    %get3A_40 = arith.constant 0 : index
    %get3A_41 = arith.constant 768 : index
    %get3A_42 = vector.load %arg1[%get3A_40, %get3A_41] : memref<128x4096xf32, #tpu.memory_space<vmem>>, vector<128x128xf32>
    %sub3A_43 = vector.broadcast %get3A_1 : vector<128x1xf32> to vector<128x128xf32>
    %sub3A_44 = arith.subf %get3A_42, %sub3A_43 : vector<128x128xf32>
    %exp3A_45 = math.exp %sub3A_44 : vector<128x128xf32>
    %add3A_46 = arith.addf %add3A_39, %exp3A_45 : vector<128x128xf32>
    %get3A_47 = arith.constant 0 : index
    %get3A_48 = arith.constant 896 : index
    %get3A_49 = vector.load %arg1[%get3A_47, %get3A_48] : memref<128x4096xf32, #tpu.memory_space<vmem>>, vector<128x128xf32>
    %sub3A_50 = vector.broadcast %get3A_1 : vector<128x1xf32> to vector<128x128xf32>
    %sub3A_51 = arith.subf %get3A_49, %sub3A_50 : vector<128x128xf32>
    %exp3A_52 = math.exp %sub3A_51 : vector<128x128xf32>
    %add3A_53 = arith.addf %add3A_46, %exp3A_52 : vector<128x128xf32>
    %get3A_54 = arith.constant 0 : index
    %get3A_55 = arith.constant 1024 : index
    %get3A_56 = vector.load %arg1[%get3A_54, %get3A_55] : memref<128x4096xf32, #tpu.memory_space<vmem>>, vector<128x128xf32>
    %sub3A_57 = vector.broadcast %get3A_1 : vector<128x1xf32> to vector<128x128xf32>
    %sub3A_58 = arith.subf %get3A_56, %sub3A_57 : vector<128x128xf32>
    %exp3A_59 = math.exp %sub3A_58 : vector<128x128xf32>
    %add3A_60 = arith.addf %add3A_53, %exp3A_59 : vector<128x128xf32>
    %get3A_61 = arith.constant 0 : index
    %get3A_62 = arith.constant 1152 : index
    %get3A_63 = vector.load %arg1[%get3A_61, %get3A_62] : memref<128x4096xf32, #tpu.memory_space<vmem>>, vector<128x128xf32>
    %sub3A_64 = vector.broadcast %get3A_1 : vector<128x1xf32> to vector<128x128xf32>
    %sub3A_65 = arith.subf %get3A_63, %sub3A_64 : vector<128x128xf32>
    %exp3A_66 = math.exp %sub3A_65 : vector<128x128xf32>
    %add3A_67 = arith.addf %add3A_60, %exp3A_66 : vector<128x128xf32>
    %get3A_68 = arith.constant 0 : index
    %get3A_69 = arith.constant 1280 : index
    %get3A_70 = vector.load %arg1[%get3A_68, %get3A_69] : memref<128x4096xf32, #tpu.memory_space<vmem>>, vector<128x128xf32>
    %sub3A_71 = vector.broadcast %get3A_1 : vector<128x1xf32> to vector<128x128xf32>
    %sub3A_72 = arith.subf %get3A_70, %sub3A_71 : vector<128x128xf32>
    %exp3A_73 = math.exp %sub3A_72 : vector<128x128xf32>
    %add3A_74 = arith.addf %add3A_67, %exp3A_73 : vector<128x128xf32>
    %get3A_75 = arith.constant 0 : index
    %get3A_76 = arith.constant 1408 : index
    %get3A_77 = vector.load %arg1[%get3A_75, %get3A_76] : memref<128x4096xf32, #tpu.memory_space<vmem>>, vector<128x128xf32>
    %sub3A_78 = vector.broadcast %get3A_1 : vector<128x1xf32> to vector<128x128xf32>
    %sub3A_79 = arith.subf %get3A_77, %sub3A_78 : vector<128x128xf32>
    %exp3A_80 = math.exp %sub3A_79 : vector<128x128xf32>
    %add3A_81 = arith.addf %add3A_74, %exp3A_80 : vector<128x128xf32>
    %get3A_82 = arith.constant 0 : index
    %get3A_83 = arith.constant 1536 : index
    %get3A_84 = vector.load %arg1[%get3A_82, %get3A_83] : memref<128x4096xf32, #tpu.memory_space<vmem>>, vector<128x128xf32>
    %sub3A_85 = vector.broadcast %get3A_1 : vector<128x1xf32> to vector<128x128xf32>
    %sub3A_86 = arith.subf %get3A_84, %sub3A_85 : vector<128x128xf32>
    %exp3A_87 = math.exp %sub3A_86 : vector<128x128xf32>
    %add3A_88 = arith.addf %add3A_81, %exp3A_87 : vector<128x128xf32>
    %get3A_89 = arith.constant 0 : index
    %get3A_90 = arith.constant 1664 : index
    %get3A_91 = vector.load %arg1[%get3A_89, %get3A_90] : memref<128x4096xf32, #tpu.memory_space<vmem>>, vector<128x128xf32>
    %sub3A_92 = vector.broadcast %get3A_1 : vector<128x1xf32> to vector<128x128xf32>
    %sub3A_93 = arith.subf %get3A_91, %sub3A_92 : vector<128x128xf32>
    %exp3A_94 = math.exp %sub3A_93 : vector<128x128xf32>
    %add3A_95 = arith.addf %add3A_88, %exp3A_94 : vector<128x128xf32>
    %get3A_96 = arith.constant 0 : index
    %get3A_97 = arith.constant 1792 : index
    %get3A_98 = vector.load %arg1[%get3A_96, %get3A_97] : memref<128x4096xf32, #tpu.memory_space<vmem>>, vector<128x128xf32>
    %sub3A_99 = vector.broadcast %get3A_1 : vector<128x1xf32> to vector<128x128xf32>
    %sub3A_100 = arith.subf %get3A_98, %sub3A_99 : vector<128x128xf32>
    %exp3A_101 = math.exp %sub3A_100 : vector<128x128xf32>
    %add3A_102 = arith.addf %add3A_95, %exp3A_101 : vector<128x128xf32>
    %get3A_103 = arith.constant 0 : index
    %get3A_104 = arith.constant 1920 : index
    %get3A_105 = vector.load %arg1[%get3A_103, %get3A_104] : memref<128x4096xf32, #tpu.memory_space<vmem>>, vector<128x128xf32>
    %sub3A_106 = vector.broadcast %get3A_1 : vector<128x1xf32> to vector<128x128xf32>
    %sub3A_107 = arith.subf %get3A_105, %sub3A_106 : vector<128x128xf32>
    %exp3A_108 = math.exp %sub3A_107 : vector<128x128xf32>
    %add3A_109 = arith.addf %add3A_102, %exp3A_108 : vector<128x128xf32>
    %get3A_110 = arith.constant 0 : index
    %get3A_111 = arith.constant 2048 : index
    %get3A_112 = vector.load %arg1[%get3A_110, %get3A_111] : memref<128x4096xf32, #tpu.memory_space<vmem>>, vector<128x128xf32>
    %sub3A_113 = vector.broadcast %get3A_1 : vector<128x1xf32> to vector<128x128xf32>
    %sub3A_114 = arith.subf %get3A_112, %sub3A_113 : vector<128x128xf32>
    %exp3A_115 = math.exp %sub3A_114 : vector<128x128xf32>
    %add3A_116 = arith.addf %add3A_109, %exp3A_115 : vector<128x128xf32>
    %get3A_117 = arith.constant 0 : index
    %get3A_118 = arith.constant 2176 : index
    %get3A_119 = vector.load %arg1[%get3A_117, %get3A_118] : memref<128x4096xf32, #tpu.memory_space<vmem>>, vector<128x128xf32>
    %sub3A_120 = vector.broadcast %get3A_1 : vector<128x1xf32> to vector<128x128xf32>
    %sub3A_121 = arith.subf %get3A_119, %sub3A_120 : vector<128x128xf32>
    %exp3A_122 = math.exp %sub3A_121 : vector<128x128xf32>
    %add3A_123 = arith.addf %add3A_116, %exp3A_122 : vector<128x128xf32>
    %get3A_124 = arith.constant 0 : index
    %get3A_125 = arith.constant 2304 : index
    %get3A_126 = vector.load %arg1[%get3A_124, %get3A_125] : memref<128x4096xf32, #tpu.memory_space<vmem>>, vector<128x128xf32>
    %sub3A_127 = vector.broadcast %get3A_1 : vector<128x1xf32> to vector<128x128xf32>
    %sub3A_128 = arith.subf %get3A_126, %sub3A_127 : vector<128x128xf32>
    %exp3A_129 = math.exp %sub3A_128 : vector<128x128xf32>
    %add3A_130 = arith.addf %add3A_123, %exp3A_129 : vector<128x128xf32>
    %get3A_131 = arith.constant 0 : index
    %get3A_132 = arith.constant 2432 : index
    %get3A_133 = vector.load %arg1[%get3A_131, %get3A_132] : memref<128x4096xf32, #tpu.memory_space<vmem>>, vector<128x128xf32>
    %sub3A_134 = vector.broadcast %get3A_1 : vector<128x1xf32> to vector<128x128xf32>
    %sub3A_135 = arith.subf %get3A_133, %sub3A_134 : vector<128x128xf32>
    %exp3A_136 = math.exp %sub3A_135 : vector<128x128xf32>
    %add3A_137 = arith.addf %add3A_130, %exp3A_136 : vector<128x128xf32>
    %get3A_138 = arith.constant 0 : index
    %get3A_139 = arith.constant 2560 : index
    %get3A_140 = vector.load %arg1[%get3A_138, %get3A_139] : memref<128x4096xf32, #tpu.memory_space<vmem>>, vector<128x128xf32>
    %sub3A_141 = vector.broadcast %get3A_1 : vector<128x1xf32> to vector<128x128xf32>
    %sub3A_142 = arith.subf %get3A_140, %sub3A_141 : vector<128x128xf32>
    %exp3A_143 = math.exp %sub3A_142 : vector<128x128xf32>
    %add3A_144 = arith.addf %add3A_137, %exp3A_143 : vector<128x128xf32>
    %get3A_145 = arith.constant 0 : index
    %get3A_146 = arith.constant 2688 : index
    %get3A_147 = vector.load %arg1[%get3A_145, %get3A_146] : memref<128x4096xf32, #tpu.memory_space<vmem>>, vector<128x128xf32>
    %sub3A_148 = vector.broadcast %get3A_1 : vector<128x1xf32> to vector<128x128xf32>
    %sub3A_149 = arith.subf %get3A_147, %sub3A_148 : vector<128x128xf32>
    %exp3A_150 = math.exp %sub3A_149 : vector<128x128xf32>
    %add3A_151 = arith.addf %add3A_144, %exp3A_150 : vector<128x128xf32>
    %get3A_152 = arith.constant 0 : index
    %get3A_153 = arith.constant 2816 : index
    %get3A_154 = vector.load %arg1[%get3A_152, %get3A_153] : memref<128x4096xf32, #tpu.memory_space<vmem>>, vector<128x128xf32>
    %sub3A_155 = vector.broadcast %get3A_1 : vector<128x1xf32> to vector<128x128xf32>
    %sub3A_156 = arith.subf %get3A_154, %sub3A_155 : vector<128x128xf32>
    %exp3A_157 = math.exp %sub3A_156 : vector<128x128xf32>
    %add3A_158 = arith.addf %add3A_151, %exp3A_157 : vector<128x128xf32>
    %get3A_159 = arith.constant 0 : index
    %get3A_160 = arith.constant 2944 : index
    %get3A_161 = vector.load %arg1[%get3A_159, %get3A_160] : memref<128x4096xf32, #tpu.memory_space<vmem>>, vector<128x128xf32>
    %sub3A_162 = vector.broadcast %get3A_1 : vector<128x1xf32> to vector<128x128xf32>
    %sub3A_163 = arith.subf %get3A_161, %sub3A_162 : vector<128x128xf32>
    %exp3A_164 = math.exp %sub3A_163 : vector<128x128xf32>
    %add3A_165 = arith.addf %add3A_158, %exp3A_164 : vector<128x128xf32>
    %get3A_166 = arith.constant 0 : index
    %get3A_167 = arith.constant 3072 : index
    %get3A_168 = vector.load %arg1[%get3A_166, %get3A_167] : memref<128x4096xf32, #tpu.memory_space<vmem>>, vector<128x128xf32>
    %sub3A_169 = vector.broadcast %get3A_1 : vector<128x1xf32> to vector<128x128xf32>
    %sub3A_170 = arith.subf %get3A_168, %sub3A_169 : vector<128x128xf32>
    %exp3A_171 = math.exp %sub3A_170 : vector<128x128xf32>
    %add3A_172 = arith.addf %add3A_165, %exp3A_171 : vector<128x128xf32>
    %get3A_173 = arith.constant 0 : index
    %get3A_174 = arith.constant 3200 : index
    %get3A_175 = vector.load %arg1[%get3A_173, %get3A_174] : memref<128x4096xf32, #tpu.memory_space<vmem>>, vector<128x128xf32>
    %sub3A_176 = vector.broadcast %get3A_1 : vector<128x1xf32> to vector<128x128xf32>
    %sub3A_177 = arith.subf %get3A_175, %sub3A_176 : vector<128x128xf32>
    %exp3A_178 = math.exp %sub3A_177 : vector<128x128xf32>
    %add3A_179 = arith.addf %add3A_172, %exp3A_178 : vector<128x128xf32>
    %get3A_180 = arith.constant 0 : index
    %get3A_181 = arith.constant 3328 : index
    %get3A_182 = vector.load %arg1[%get3A_180, %get3A_181] : memref<128x4096xf32, #tpu.memory_space<vmem>>, vector<128x128xf32>
    %sub3A_183 = vector.broadcast %get3A_1 : vector<128x1xf32> to vector<128x128xf32>
    %sub3A_184 = arith.subf %get3A_182, %sub3A_183 : vector<128x128xf32>
    %exp3A_185 = math.exp %sub3A_184 : vector<128x128xf32>
    %add3A_186 = arith.addf %add3A_179, %exp3A_185 : vector<128x128xf32>
    %get3A_187 = arith.constant 0 : index
    %get3A_188 = arith.constant 3456 : index
    %get3A_189 = vector.load %arg1[%get3A_187, %get3A_188] : memref<128x4096xf32, #tpu.memory_space<vmem>>, vector<128x128xf32>
    %sub3A_190 = vector.broadcast %get3A_1 : vector<128x1xf32> to vector<128x128xf32>
    %sub3A_191 = arith.subf %get3A_189, %sub3A_190 : vector<128x128xf32>
    %exp3A_192 = math.exp %sub3A_191 : vector<128x128xf32>
    %add3A_193 = arith.addf %add3A_186, %exp3A_192 : vector<128x128xf32>
    %get3A_194 = arith.constant 0 : index
    %get3A_195 = arith.constant 3584 : index
    %get3A_196 = vector.load %arg1[%get3A_194, %get3A_195] : memref<128x4096xf32, #tpu.memory_space<vmem>>, vector<128x128xf32>
    %sub3A_197 = vector.broadcast %get3A_1 : vector<128x1xf32> to vector<128x128xf32>
    %sub3A_198 = arith.subf %get3A_196, %sub3A_197 : vector<128x128xf32>
    %exp3A_199 = math.exp %sub3A_198 : vector<128x128xf32>
    %add3A_200 = arith.addf %add3A_193, %exp3A_199 : vector<128x128xf32>
    %get3A_201 = arith.constant 0 : index
    %get3A_202 = arith.constant 3712 : index
    %get3A_203 = vector.load %arg1[%get3A_201, %get3A_202] : memref<128x4096xf32, #tpu.memory_space<vmem>>, vector<128x128xf32>
    %sub3A_204 = vector.broadcast %get3A_1 : vector<128x1xf32> to vector<128x128xf32>
    %sub3A_205 = arith.subf %get3A_203, %sub3A_204 : vector<128x128xf32>
    %exp3A_206 = math.exp %sub3A_205 : vector<128x128xf32>
    %add3A_207 = arith.addf %add3A_200, %exp3A_206 : vector<128x128xf32>
    %get3A_208 = arith.constant 0 : index
    %get3A_209 = arith.constant 3840 : index
    %get3A_210 = vector.load %arg1[%get3A_208, %get3A_209] : memref<128x4096xf32, #tpu.memory_space<vmem>>, vector<128x128xf32>
    %sub3A_211 = vector.broadcast %get3A_1 : vector<128x1xf32> to vector<128x128xf32>
    %sub3A_212 = arith.subf %get3A_210, %sub3A_211 : vector<128x128xf32>
    %exp3A_213 = math.exp %sub3A_212 : vector<128x128xf32>
    %add3A_214 = arith.addf %add3A_207, %exp3A_213 : vector<128x128xf32>
    %get3A_215 = arith.constant 0 : index
    %get3A_216 = arith.constant 3968 : index
    %get3A_217 = vector.load %arg1[%get3A_215, %get3A_216] : memref<128x4096xf32, #tpu.memory_space<vmem>>, vector<128x128xf32>
    %sub3A_218 = vector.broadcast %get3A_1 : vector<128x1xf32> to vector<128x128xf32>
    %sub3A_219 = arith.subf %get3A_217, %sub3A_218 : vector<128x128xf32>
    %exp3A_220 = math.exp %sub3A_219 : vector<128x128xf32>
    %add3A_221 = arith.addf %add3A_214, %exp3A_220 : vector<128x128xf32>
    %eq3A = arith.constant 0 : i32
    %eq3A_222 = arith.cmpi eq, %arg0, %eq3A : i32
    %convert_element_type3A = arith.extui %eq3A_222 : i1 to i32
    %cond3A = arith.constant 0 : i32
    %cond3A_223 = arith.cmpi ne, %convert_element_type3A, %cond3A : i32
    scf.if %cond3A_223 {
      %swap3A = arith.constant 0 : index
      %swap3A_233 = arith.constant 0 : index
      %swap3A_234 = vector.load %arg4[%swap3A, %swap3A_233] : memref<128x128xf32, #tpu.memory_space<vmem>>, vector<128x128xf32>
      tpu.vector_store %arg4[%swap3A, %swap3A_233], %add3A_221 {strides = array<i32>} : memref<128x128xf32, #tpu.memory_space<vmem>>, vector<128x128xf32>,
    } else {
    }
    %gt3A = arith.constant 0 : i32
    %gt3A_224 = arith.cmpi sgt, %arg0, %gt3A : i32
    %convert_element_type3A_225 = arith.extui %gt3A_224 : i1 to i32
    %cond3A_226 = arith.constant 0 : i32
    %cond3A_227 = arith.cmpi ne, %convert_element_type3A_225, %cond3A_226 : i32
    scf.if %cond3A_227 {
      %get3A_233 = arith.constant 0 : index
      %get3A_234 = arith.constant 0 : index
      %get3A_235 = vector.load %arg4[%get3A_233, %get3A_234] : memref<128x128xf32, #tpu.memory_space<vmem>>, vector<128x128xf32>
      %add3A_236 = arith.addf %get3A_235, %add3A_221 : vector<128x128xf32>
      %swap3A = arith.constant 0 : index
      %swap3A_237 = arith.constant 0 : index
      %swap3A_238 = vector.load %arg4[%swap3A, %swap3A_237] : memref<128x128xf32, #tpu.memory_space<vmem>>, vector<128x128xf32>
      tpu.vector_store %arg4[%swap3A, %swap3A_237], %add3A_236 {strides = array<i32>} : memref<128x128xf32, #tpu.memory_space<vmem>>, vector<128x128xf32>,
    } else {
    }
    %eq3A_228 = arith.constant 4 : i32
    %eq3A_229 = arith.cmpi eq, %arg0, %eq3A_228 : i32
    %convert_element_type3A_230 = arith.extui %eq3A_229 : i1 to i32
    %cond3A_231 = arith.constant 0 : i32
    %cond3A_232 = arith.cmpi ne, %convert_element_type3A_230, %cond3A_231 : i32
    scf.if %cond3A_232 {
      %get3A_233 = arith.constant 0 : index
      %get3A_234 = arith.constant 0 : index
      %get3A_235 = vector.load %arg4[%get3A_233, %get3A_234] : memref<128x128xf32, #tpu.memory_space<vmem>>, vector<128x128xf32>
      %reduce_sum3A = arith.constant dense<0.000000e+00> : vector<128xf32>
      %reduce_sum3A_236 = vector.multi_reduction <add>, %get3A_235, %reduce_sum3A [1] : vector<128x128xf32> to vector<128xf32>
      %broadcast_in_dim3A = vector.shape_cast %reduce_sum3A_236 : vector<128xf32> to vector<128x1xf32>
      %swap3A = arith.constant 0 : index
      %swap3A_237 = arith.constant 0 : index
      %swap3A_238 = vector.load %arg3[%swap3A, %swap3A_237] : memref<128x1xf32, #tpu.memory_space<vmem>>, vector<128x1xf32>
      tpu.vector_store %arg3[%swap3A, %swap3A_237], %broadcast_in_dim3A {strides = array<i32>} : memref<128x1xf32, #tpu.memory_space<vmem>>, vector<128x1xf32>,
    } else {
    }
    return
  }
  func.func @transform_0(%arg0: i32) -> (i32, i32) {
    %c0_i32 = arith.constant 0 : i32
    %c0_i32_0 = arith.constant 0 : i32
    return %c0_i32, %arg0 : i32, i32
  }
  func.func @transform_1(%arg0: i32) -> (i32, i32) {
    %c0_i32 = arith.constant 0 : i32
    %c0_i32_0 = arith.constant 0 : i32
    %c0_i32_1 = arith.constant 0 : i32
    return %c0_i32, %c0_i32_0 : i32, i32
  }
  func.func @transform_2(%arg0: i32) -> (i32, i32) {
    %c0_i32 = arith.constant 0 : i32
    %c0_i32_0 = arith.constant 0 : i32
    %c0_i32_1 = arith.constant 0 : i32
    return %c0_i32, %c0_i32_0 : i32, i32
  }
}

</mosaic_0001>

<sc_bundles>
// kernel: kernel.5.cloned.1.call-start
scs
__scs_entry_jumppad:
0x0: {  	(pc) =	sbr.rel $0x88, $3  }
0x1: {  	(tag) =	ssettag $0x0;
	lr =	simm.s32 $0x1  }
0x2: {  	[smem:$0x3FA0] =	sst lr;
	_ =	strace $0xD0000000  }
0x3: {  	_ = 	snop  }
0x4: {  	_ = 	snop  }
0x5: {  	_ = 	snop  }
0x6: {  	_ = 	snop  }
0x7: {  	_ = 	snop  }
__scs_overlays_trampoline_lowered:
0x8: {  	[smem:$0x3FAF] =	sst s0  }
0x9: {  	[smem:$0x3FB0] =	sst s1  }
0xa: {  	[smem:$0x3FB1] =	sst s2  }
0xb: {  	[smem:$0x3FB2] =	sst s3  }
0xc: {  	[smem:$0x3FB3] =	sst s4  }
0xd: {  	[smem:$0x3FB4] =	sst s5  }
0xe: {  	[smem:$0x3FB5] =	sst s6  }
0xf: {  	[smem:$0x3FB6] =	sst s7  }
0x10: {  	[smem:$0x3FB7] =	sst s8  }
0x11: {  	[smem:$0x3FB8] =	sst s9;
	s0 =	simm.s32 @!p0 $0x0  }
0x12: {  	s1 =	sld [smem:$0x3F9E];
	s0 =	simm.s32 @p0 $0x1  }
0x13: {  	[smem:$0x3FB9] =	sst s0;
	s0 =	simm.s32 @!p1 $0x0  }
0x14: {  	s2 =	sld [smem:$0x3F9D];
	s0 =	simm.s32 @p1 $0x1  }
0x15: {  	[smem:$0x3FBA] =	sst s0;
	s0 =	simm.s32 @!p2 $0x0  }
0x16: {  	s3 =	sld [smem:$0x3FDB];
	s0 =	simm.s32 @p2 $0x1  }
0x17: {  	s4 =	simm.s32 $0x1BF5;
	[smem:$0x3FBC] =	sst s0  }
0x18: {  	s0 =	sld [smem:$0x3F9F];
	_ =	swait.ge [sflag:s4], $0x0  }
0x19: {  	s7 =	sld [smem:$0x3FA0]  }
0x1a: {  	s8 =	sadd.s32 $0xFFFFE003, lr  }
0x1b: {  	s9 =	sadd.s32 $0xFFFFFEF7, lr;
	s5 =	simm.s32 $0xFFFFFFFF;
	p2 =	slt.u32 s8, $0xFFFFF086  }
0x1c: {  	p1 =	slt.u32 s9, $0xF7A;
	s5 =	simm.s32 @!p2 $0x0  }
0x1d: {  	s5 =	simm.s32 @p1 $0x1;
	p0 =	seq.s32 s7, s2  }
0x1e: {  	s7 =	smul.u32 @!p0 $0xF7A, s2;
	p2 =	seq.s32 @!p0 s5, $0x0  }
0x1f: {  	s9 =	smul.u32 $0xF7A, s1;
	s8 =	simm.s32 @!p0 $0x1BF5;
	p2 =	por !p2, p0  }
0x20: {  	[sflag:s8] =	ssyncset.s32 @!p0 $0xFFFFF086;
	s6 =	sadd.s32 @!p0 s3, s7;
	s7 =	simm.s32 @!p0 $0x108  }
0x21: {  	s3 =	sadd.s32 s3, s9;
	s6 =	sadd.s32 @!p0 $0x88, s6;
	s7 =	simm.s32 @p2 $0x1082  }
0x22: {  	[simem:s7], [sflag:s8] =	dma.local @!p0 [hbm:s6], $0xF7A  }
0x23: {  	s9 =	sor.u32 $0xD0000000, s2;
	s6 =	simm.s32 $0x108;
	_ =	swait.ge @!p0 [sflag:s8], $0x0  }
0x24: {  	s3 =	sadd.s32 $0x88, s3;
	s6 =	simm.s32 @!p1 $0x1082;
	[sflag:s4] =	ssyncset.s32 $0xFFFFF086  }
0x25: {  	[simem:s6], [sflag:s4] =	dma.local [hbm:s3], $0xF7A  }
0x26: {  	[smem:$0x3FA0] =	sst s1;
	(tag) =	ssettag s2;
	_ =	strace s9  }
0x27: {  	s1 =	sld [smem:$0x3FB0]  }
0x28: {  	s2 =	sld [smem:$0x3FB1]  }
0x29: {  	s4 =	sld [smem:$0x3FB3]  }
0x2a: {  	p0 =	seq.s32 s5, $0x0;
	s5 =	sld [smem:$0x3FB4]  }
0x2b: {  	s6 =	sld [smem:$0x3FB5]  }
0x2c: {  	s7 =	sld [smem:$0x3FB6]  }
0x2d: {  	s3 =	simm.s32 $0x108;
	s8 =	sld [smem:$0x3FB7]  }
0x2e: {  	s3 =	simm.s32 @!p0 $0x1082;
	s9 =	sld [smem:$0x3FB8]  }
0x2f: {  	lr =	sadd.s32 s0, s3;
	s0 =	sld [smem:$0x3FAF]  }
0x30: {  	s3 =	sld [smem:$0x3FB2]  }
0x31: {  	[smem:$0x3FBB] =	sst s10  }
0x32: {  	s10 =	sld [smem:$0x3FB9];
	_ =	sdelay $0x3  }
0x33: {  	p0 =	seq.s32 s10, $0x1;
	s10 =	sld [smem:$0x3FBB];
	_ =	sdelay $0x3  }
0x34: {  	[smem:$0x3FBB] =	sst s10  }
0x35: {  	s10 =	sld [smem:$0x3FBA];
	_ =	sdelay $0x3  }
0x36: {  	p1 =	seq.s32 s10, $0x1;
	s10 =	sld [smem:$0x3FBB];
	_ =	sdelay $0x3  }
0x37: {  	[smem:$0x3FBB] =	sst s10  }
0x38: {  	s10 =	sld [smem:$0x3FBC]  }
0x39: {  	_ = 	snop;
	(pc) =	sbr.ind lr, $3  }
0x3a: {  	_ = 	snop  }
0x3b: {  	_ = 	snop  }
0x3c: {  	p2 =	seq.s32 s10, $0x1;
	s10 =	sld [smem:$0x3FBB]  }
0x3d: {  	_ =	shalt  }
0x3e: {  	_ =	shalt  }
0x3f: {  	_ =	shalt  }
0x40: {  	_ =	shalt  }
0x41: {  	_ =	shalt  }
0x42: {  	_ =	shalt  }
0x43: {  	_ =	shalt  }
0x44: {  	_ =	shalt  }
0x45: {  	_ =	shalt  }
0x46: {  	_ =	shalt  }
0x47: {  	_ =	shalt  }
0x48: {  	_ =	shalt  }
0x49: {  	_ =	shalt  }
0x4a: {  	_ =	shalt  }
0x4b: {  	_ =	shalt  }
0x4c: {  	_ =	shalt  }
0x4d: {  	_ =	shalt  }
0x4e: {  	_ =	shalt  }
0x4f: {  	_ =	shalt  }
0x50: {  	_ =	shalt  }
0x51: {  	_ =	shalt  }
0x52: {  	_ =	shalt  }
0x53: {  	_ =	shalt  }
0x54: {  	_ =	shalt  }
0x55: {  	_ =	shalt  }
0x56: {  	_ =	shalt  }
0x57: {  	_ =	shalt  }
0x58: {  	_ =	shalt  }
0x59: {  	_ =	shalt  }
0x5a: {  	_ =	shalt  }
0x5b: {  	_ =	shalt  }
0x5c: {  	_ =	shalt  }
0x5d: {  	_ =	shalt  }
0x5e: {  	_ =	shalt  }
0x5f: {  	_ =	shalt  }
0x60: {  	_ =	shalt  }
0x61: {  	_ =	shalt  }
0x62: {  	_ =	shalt  }
0x63: {  	_ =	shalt  }
0x64: {  	_ =	shalt  }
0x65: {  	_ =	shalt  }
0x66: {  	_ =	shalt  }
0x67: {  	_ =	shalt  }
0x68: {  	_ =	shalt  }
0x69: {  	_ =	shalt  }
0x6a: {  	_ =	shalt  }
0x6b: {  	_ =	shalt  }
0x6c: {  	_ =	shalt  }
0x6d: {  	_ =	shalt  }
0x6e: {  	_ =	shalt  }
0x6f: {  	_ =	shalt  }
0x70: {  	_ =	shalt  }
0x71: {  	_ =	shalt  }
0x72: {  	_ =	shalt  }
0x73: {  	_ =	shalt  }
0x74: {  	_ =	shalt  }
0x75: {  	_ =	shalt  }
0x76: {  	_ =	shalt  }
0x77: {  	_ =	shalt  }
0x78: {  	_ =	shalt  }
0x79: {  	_ =	shalt  }
0x7a: {  	_ =	shalt  }
0x7b: {  	_ =	shalt  }
0x7c: {  	_ =	shalt  }
0x7d: {  	_ =	shalt  }
0x7e: {  	_ =	shalt  }
0x7f: {  	_ =	shalt  }
0x80: {  	_ =	shalt  }
0x81: {  	_ =	shalt  }
0x82: {  	_ =	shalt  }
0x83: {  	_ =	shalt  }
0x84: {  	_ =	shalt  }
0x85: {  	_ =	shalt  }
0x86: {  	_ =	shalt  }
0x87: {  	_ =	shalt  }
.Lfunc_end0:
.L_simem_size_0:
called_computation_lowered:
.L_overlay_start_0:
0x88: {  	s2 =	sld [smem:$0x3FD9]  }
0x89: {  	s3 =	sld [smem:$0x3FFE];
	_ =	sdelay $0x1  }
0x8a: {  	s1 =	srdreg.scid  }
0x8b: {  	s0 =	sand.u32 $0x1, s1  }
0x8c: {  	s17 =	sshll.u32 s0, $0xA;
	s2 =	sadd.s32 s3, s2  }
0x8d: {  	s2 =	sadd.s32 s2, s17  }
0x8e: {  	[smem:$0x3FC7] =	sst s2  }
0x8f: {  	_ = 	snop  }
0x90: {  	s2 =	sld [smem:$0x3FC9];
	(tm) =	ssettm $0x1  }
0x91: {  	s18 =	sld [smem:$0x3FFB];
	_ =	sdelay $0x3  }
0x92: {  	_ =	strace s18  }
0x93: {  	s3 =	sld [smem:$0x3FFC];
	_ =	sdelay $0x3  }
0x94: {  	_ =	strace s3  }
0x95: {  	s3 =	sld [smem:$0x3FFD];
	_ =	sdelay $0x3  }
0x96: {  	_ =	strace s3  }
0x97: {  	_ =	strace $0x8FFFFFFF  }
0x98: {  	s19 =	sld [smem:$0x3FDB];
	_ =	sdelay $0x1  }
0x99: {  	s4 =	simm.s32 $_scs_section_size  }
0x9a: {  	s5 =	simm.s32 $_size__tile_overlayer_lowered;
	s6 =	simm.s32 $_tile_overlayer_lowered  }
0x9b: {  	s22 =	simm.s32 $0x1BFF;
	s21 =	sshll.u32 s6, $0x1;
	s3 =	sadd.s32 s4, s19  }
0x9c: {  	s7 =	simm.s32 $0x0;
	s20 =	sshll.u32 s5, $0x1;
	s5 =	sadd.s32 s21, s3  }
0x9d: {  	[timem:s7], [sflag:s22] =	dma.local [hbm:s5], s20  }
0x9e: {  	_ =	swait.ge [sflag:s22], s20  }
0x9f: {  	s4 =	ssub.s32 $0x0, s20;
	[sflag:s22] =	ssyncset.done $0x0  }
0xa0: {  	[sflag:s22] =	ssyncadd.s32 s4;
	_ =	sdelay $0x1  }
0xa1: {  	s23 =	simm.s32 $0x1B8B  }
0xa2: {  	_ =	swait.ge [sflag:s23], $0x1  }
0xa3: {  	[sflag:s23] =	ssyncset.done $0x0  }
0xa4: {  	s25 =	simm.s32 $0x1B8E;
	s24 =	sld [smem:$0x3FFE];
	[sflag:s23] =	ssyncadd.s32 $0xFFFFFFFF  }
0xa5: {  	s26 =	simm.s32 $execute0_lowered;
	[smem:$0x3FD2] =	sst s25  }
0xa6: {  	s5 =	sshll.u32 s26, $0x1;
	_ =	strace $0x80000046;
	[dreg:$0x1] =	wrdreg $0xFFFFFFFF  }
0xa7: {  	s28 =	simm.s32 $_size_execute0_lowered;
	s3 =	sadd.s32 s3, s5;
	[dreg:$0x0] =	wrdreg $0x0  }
0xa8: {  	s5 =	sshll.u32 s28, $0x1;
	[dreg:$0x2] =	wrdreg s3  }
0xa9: {  	[dreg:$0x3] =	wrdreg s5  }
0xaa: {  	[dreg:$0x4] =	wrdreg $0xC0  }
0xab: {  	_ =	task [dreg:s7], $0x5FFFF  }
0xac: {  	[dreg:$0x1] =	wrdreg $0xFFFFFFFF  }
0xad: {  	[dreg:$0x0] =	wrdreg $0x60  }
0xae: {  	[dreg:$0x2] =	wrdreg s2  }
0xaf: {  	[dreg:$0x3] =	wrdreg s24  }
0xb0: {  	[dreg:$0x4] =	wrdreg $0x9  }
0xb1: {  	_ =	task.clear_ibuf [dreg:s7], $0x5FFFF;
	_ =	strace $0x90000046  }
0xb2: {  	s29 =	simm.s32 $0x9;
	_ =	strace $0x80000048  }
0xb3: {  	_ =	swait.ge [sflag:s29], $0x1  }
0xb4: {  	[sflag:s29] =	ssyncadd.s32 $0xFFFFFFFF  }
0xb5: {  	_ =	strace $0x90000048  }
0xb6: {  	_ =	sfence  }
0xb7: {  	s30 =	sld [smem:$0x0];
	_ =	sdelay $0x2  }
0xb8: {  	s31 =	sshll.u32 s1, $0xD;
	s1 =	sshrl.u32 s1, $0x2  }
0xb9: {  	s3 =	sand.u32 $0x4000, s31;
	s1 =	sadd.s32 s1, s30  }
0xba: {  	s0 =	sor.u32 s3, s0;
	s1 =	sshll.u32 s1, $0x11  }
0xbb: {  	s0 =	sor.u32 s1, s0  }
0xbc: {  	s0 =	sadd.s32 $0x8F2B, s0  }
0xbd: {  	[sflag:s0] =	ssyncadd.remote.s32 $0x1  }
0xbe: {  	_ =	sfence.sel $0xFFFF  }
0xbf: {  	[dreg:$0x0] =	wrdreg $0xFFFFFFFF;
	(pc) =	sbr.abs _section_cstart, $3  }
0xc0: {  	[dreg:$0x1] =	wrdreg $0xFFFFFFFF  }
0xc1: {  	_ =	task.clear_ibuf [dreg:s7], $0x2FFFF;
	_ =	strace $0x9FFFFFFF  }
0xc2: {  	(tm) =	ssettm $0x7FFFFFFF  }
0xc3: {  	_ =	shalt  }
tec
execute0_lowered:
.L_overlay_start_1:
0x0: {  	(tag) =	ssettag $0x1  }
0x1: {  	s7 =	rddreg [dreg:$0x0]  }
0x2: {  	s8 =	rddreg [dreg:$0x1]  }
0x3: {  	s0 =	rddreg [dreg:$0x2];
	s3 =	srdreg.scid  }
0x4: {  	v0 =	vimm.s32 $0xFEDCBA98;
	s1 =	stileid.u32;
	s2 =	simm.s32 $0x0;
	s12 =	simm.s32 $0x400  }
0x5: {  	v1 =	vimm.s32 $0x76543210;
	v2 =	vimm.s32 $0xBA98FEDC;
	s13 =	simm.s32 $0x1800;
	s14 =	simm.s32 $0x3000;
	s15 =	simm.s32 $0x3  }
0x6: {  	v3 =	vimm.s32 $0x32107654;
	v4 =	vimm.s32 $0xDCFE98BA;
	s16 =	simm.s32 $0x4;
	s17 =	simm.s32 $0x6000;
	s18 =	simm.s32 $0x5  }
0x7: {  	v5 =	vimm.s32 $0x54761032;
	v6 =	vimm.s32 $0xEFCDAB89;
	s19 =	simm.s32 $0x6080;
	s3 =	sand.u32 $0x1, s3;
	s4 =	sshll.u32 s1, $0x1  }
0x8: {  	v7 =	vimm.s32 $0x67452301;
	s20 =	simm.s32 $0x0;
	v0 =	vunpack.c.l.s4.s8 v0;
	[smem:$0x7FF] =	sst s2;
	v1 =	vunpack.c.l.s4.s8 v1;
	s6 =	sor.u32 s3, s4  }
0x9: {  	v2 =	vunpack.c.l.s4.s8 v2;
	v3 =	vunpack.c.l.s4.s8 v3;
	v4 =	vunpack.c.l.s4.s8 v4;
	s29 =	ssub.s32 $0x2, s3;
	s3 =	sshll.u32 s3, $0x6;
	_ =	strace $0x80000047  }
0xa: {  	v5 =	vunpack.c.l.s4.s8 v5;
	v6 =	vunpack.c.l.s4.s8 v6;
	v7 =	vunpack.c.l.s4.s8 v7;
	s5 =	sshll.u32 s6, $0xE;
	s9 =	sshrl.u32 s29, $0x1;
	s30 =	sshll.u32 s6, $0x2  }
0xb: {  	v0 =	vunpack.c.0.s8.s32 v0;
	v1 =	vunpack.c.0.s8.s32 v1;
	s11 =	sshll.u32 s6, $0x4;
	v2 =	vunpack.c.0.s8.s32 v2;
	s5 =	sor.u32 s3, s5;
	s10 =	ssub.s32 s29, s9  }
0xc: {  	v3 =	vunpack.c.0.s8.s32 v3;
	v4 =	vunpack.c.0.s8.s32 v4;
	v5 =	vunpack.c.0.s8.s32 v5;
	s6 =	sor.u32 $0x1, s30;
	s8 =	sadd.s32 s8, s11;
	s11 =	simm.s32 $0x80  }
0xd: {  	v6 =	vunpack.c.0.s8.s32 v6;
	v7 =	vunpack.c.0.s8.s32 v7;
	v0 =	vand.u32 $0xF, v0;
	s3 =	sor.u32 $0x5000, s5;
	s31 =	sor.u32 $0x6800, s5;
	s5 =	sor.u32 $0x5010, s5  }
0xe: {  	vm0 =	vmmov $0x1;
	s9 =	sadd.s32 $0x200, s8;
	s10 =	smax.u32 s10, $0x1;
	s3 =	sadd.s32 s7, s3;
	v0 =	vcombine.low v0, v1;
	v1 =	vcombine.low v3, v2  }
0xf: {  	s4 =	sadd.s32 s7, s31;
	s5 =	sadd.s32 s7, s5;
	s7 =	sadd.s32 $0x5000, s7;
	v2 =	vcombine.low v5, v4;
	v3 =	vcombine.low v7, v6;
	v4 =	vlaneseq.u32  }
.LBB2_1:
0x10: {  	[tilespmem:s2], [sflag:$0x3] =	stream.strided.gather [hbm4b:s3+s11], $0x1800, s12, s11, $0x38;
	[tilespmem:$0x6100] =	vst v63  }
0x11: {  	_ = 	snop  }
0x12: {  	[tilespmem:s13], [sflag:$0x4] =	stream.strided.gather [hbm4b:s4+s11], $0x1800, s12, s11, $0x38;
	[tilespmem:$0x6100] =	vst v63  }
0x13: {  	_ = 	snop  }
0x14: {  	[tilespmem:s14], [sflag:$0x2] =	stream.strided.gather [hbm4b:s5+s11], $0x3000, s12, s11, $0x38;
	[tilespmem:$0x6100] =	vst v63  }
0x15: {  	_ =	swait.ge [sflag:s15], $0x1800  }
0x16: {  	[sflag:s15] =	ssyncset.done $0x0  }
0x17: {  	s22 =	simm.s32 $0x40;
	[sflag:s15] =	ssyncadd.s32 $0xFFFFE800  }
0x18: {  	v5 =	vld [tilespmem:s22+$0x30]  }
0x19: {  	v6 =	vld [tilespmem:s22+$0xFFFFFFD0]  }
0x1a: {  	v9 =	vld [tilespmem:s22+$0xFFFFFFE0]  }
0x1b: {  	v11 =	vld [tilespmem:s22+$0xFFFFFFF0]  }
0x1c: {  	v12 =	vld [tilespmem:s22+$0x0]  }
0x1d: {  	v8 =	vimm.f32 $-Inf;
	v13 =	vimm.f32 $-Inf;
	v10 =	vld [tilespmem:s22+$0x10]  }
0x1e: {  	v14 =	vimm.f32 $-Inf;
	v15 =	vimm.f32 $-Inf;
	v16 =	vld [tilespmem:s22+$0x20];
	v7 =	vmax.f32 v8, v5  }
0x1f: {  	s21 =	simm.s32 $0x0;
	v17 =	vld [tilespmem:s22+$0xFFFFFFC0];
	s22 =	simm.s32 $0xC0;
	v5 =	vmax.f32 v8, v6;
	v6 =	vmax.f32 v8, v9;
	v9 =	vimm.f32 $-Inf  }
.LBB2_2:
0x20: {  	v18 =	vld [tilespmem:s22+$0x30];
	s21 =	sadd.s32 $0x80, s21;
	v8 =	vmax.f32 v8, v11  }
0x21: {  	v19 =	vld [tilespmem:s22+$0xFFFFFFD0];
	p0 =	slt.u32 s21, $0x1780;
	v9 =	vmax.f32 v9, v12  }
0x22: {  	v20 =	vld [tilespmem:s22+$0xFFFFFFE0];
	v13 =	vmax.f32 v13, v10  }
.Ltmp0:
0x23: {  	v11 =	vld [tilespmem:s22+$0xFFFFFFF0];
	v14 =	vmax.f32 v14, v16;
	(pc) =	sbr.rel @p0 .LBB2_2-.Ltmp0, $4  }
0x24: {  	v12 =	vld [tilespmem:s22+$0x0];
	v15 =	vmax.f32 v15, v17  }
0x25: {  	v10 =	vld [tilespmem:s22+$0x10];
	v7 =	vmax.f32 v7, v18  }
0x26: {  	v5 =	vmax.f32 v5, v19;
	v16 =	vld [tilespmem:s22+$0x20]  }
0x27: {  	v17 =	vld [tilespmem:s22+$0xFFFFFFC0];
	v6 =	vmax.f32 v6, v20;
	s22 =	sadd.s32 $0x80, s22  }
0x28: {  	_ =	swait.ge [sflag:s16], $0x1800  }
0x29: {  	[sflag:s16] =	ssyncset.done $0x0  }
0x2a: {  	s22 =	simm.s32 $0x1870;
	[sflag:s16] =	ssyncadd.s32 $0xFFFFE800  }
0x2b: {  	v20 =	vld [tilespmem:s22+$0x0]  }
0x2c: {  	v21 =	vld [tilespmem:s22+$0xFFFFFFA0]  }
0x2d: {  	v22 =	vld [tilespmem:s22+$0xFFFFFFB0]  }
0x2e: {  	v19 =	vld [tilespmem:s22+$0xFFFFFFC0]  }
0x2f: {  	v18 =	vld [tilespmem:s22+$0xFFFFFFD0]  }
0x30: {  	v11 =	vmax.f32 v8, v11;
	v9 =	vmax.f32 v9, v12;
	v12 =	vld [tilespmem:s22+$0xFFFFFFE0]  }
0x31: {  	v10 =	vmax.f32 v13, v10;
	v8 =	vmax.f32 v14, v16;
	v14 =	vld [tilespmem:s22+$0xFFFFFFF0];
	v13 =	vmax.f32 v15, v17  }
0x32: {  	s21 =	simm.s32 $0x0;
	v15 =	vld [tilespmem:s22+$0xFFFFFF90];
	s22 =	simm.s32 $0x18F0;
	v7 =	vmax.f32 v7, v20;
	v5 =	vmax.f32 v5, v21;
	v6 =	vmax.f32 v6, v22  }
.LBB2_4:
0x33: {  	v16 =	vld [tilespmem:s22+$0x0];
	s21 =	sadd.s32 $0x80, s21;
	v11 =	vmax.f32 v11, v19  }
0x34: {  	v17 =	vld [tilespmem:s22+$0xFFFFFFA0];
	p0 =	slt.u32 s21, $0x1780;
	v9 =	vmax.f32 v9, v18  }
0x35: {  	v20 =	vld [tilespmem:s22+$0xFFFFFFB0];
	v10 =	vmax.f32 v10, v12  }
.Ltmp1:
0x36: {  	v19 =	vld [tilespmem:s22+$0xFFFFFFC0];
	v8 =	vmax.f32 v8, v14;
	(pc) =	sbr.rel @p0 .LBB2_4-.Ltmp1, $4  }
0x37: {  	v18 =	vld [tilespmem:s22+$0xFFFFFFD0];
	v13 =	vmax.f32 v13, v15  }
0x38: {  	v12 =	vld [tilespmem:s22+$0xFFFFFFE0];
	v7 =	vmax.f32 v7, v16  }
0x39: {  	v5 =	vmax.f32 v5, v17;
	v14 =	vld [tilespmem:s22+$0xFFFFFFF0]  }
0x3a: {  	v15 =	vld [tilespmem:s22+$0xFFFFFF90];
	v6 =	vmax.f32 v6, v20;
	s22 =	sadd.s32 $0x80, s22  }
0x3b: {  	_ =	sdelay $0x3  }
0x3c: {  	v13 =	vmax.f32 v13, v15  }
0x3d: {  	v5 =	vmax.f32 v13, v5  }
0x3e: {  	v11 =	vmax.f32 v11, v19;
	v5 =	vmax.f32 v5, v6  }
0x3f: {  	v6 =	vmax.f32 v9, v18;
	v5 =	vmax.f32 v5, v11  }
0x40: {  	v9 =	vmax.f32 v10, v12;
	v5 =	vmax.f32 v5, v6  }
0x41: {  	v6 =	vmax.f32 v8, v14;
	v5 =	vmax.f32 v5, v9  }
0x42: {  	v5 =	vmax.f32 v5, v6  }
0x43: {  	v5 =	vmax.f32 v5, v7  }
0x44: {  	v6 =	vperm.xlane v5, v0;
	_ =	sdelay $0x1  }
0x45: {  	v5 =	vmax.f32 v5, v6  }
0x46: {  	v6 =	vperm.xlane v5, v1;
	_ =	sdelay $0x1  }
0x47: {  	v5 =	vmax.f32 v5, v6  }
0x48: {  	v6 =	vperm.xlane v5, v2  }
0x49: {  	s21 =	simm.s32 $0x40  }
0x4a: {  	v7 =	vld [tilespmem:s21+$0x30];
	v5 =	vmax.f32 v5, v6  }
0x4b: {  	v6 =	vperm.xlane v5, v3  }
0x4c: {  	v8 =	vld [tilespmem:s21+$0xFFFFFFD0]  }
0x4d: {  	v5 =	vmax.f32 v5, v6;
	v6 =	vld [tilespmem:s21+$0xFFFFFFE0]  }
0x4e: {  	v9 =	vld [tilespmem:s21+$0xFFFFFFF0]  }
0x4f: {  	v10 =	vld [tilespmem:s21+$0x0];
	v7 =	vsub.f32 v7, v5  }
0x50: {  	v13 =	vld [tilespmem:s21+$0xFFFFFFC0]  }
0x51: {  	v11 =	vld [tilespmem:s21+$0x10];
	v8 =	vsub.f32 v8, v5;
	v7 =	vmul.f32 $1.442695020e+00, v7  }
0x52: {  	v12 =	vld [tilespmem:s21+$0x20];
	v6 =	vsub.f32 v6, v5  }
0x53: {  	(erf) = vpow2.f32 v7;
	v7 =	vmul.f32 $1.442695020e+00, v8;
	v8 =	vsub.f32 v9, v5  }
0x54: {  	s22 =	simm.s32 $0xC0;
	v9 =	vsub.f32 v10, v5  }
0x55: {  	v10 =	vld [tilespmem:s22+$0x30];
	v6 =	vmul.f32 $1.442695020e+00, v6;
	v8 =	vmul.f32 $1.442695020e+00, v8  }
0x56: {  	v14 =	vld [tilespmem:s22+$0xFFFFFFD0];
	v11 =	vsub.f32 v11, v5;
	(erf) = vpow2.f32 v7;
	v7 =	vmul.f32 $1.442695020e+00, v9  }
0x57: {  	v9 =	vsub.f32 v12, v5;
	v12 =	vsub.f32 v13, v5;
	v13 =	vld [tilespmem:s22+$0x0];
	(erf) = vpow2.f32 v6  }
0x58: {  	v11 =	vmul.f32 $1.442695020e+00, v11;
	v6 =	vld [tilespmem:s22+$0xFFFFFFE0];
	(erf) = vpow2.f32 v8  }
0x59: {  	v9 =	vmul.f32 $1.442695020e+00, v9;
	v8 =	vld [tilespmem:s22+$0xFFFFFFF0];
	(erf) = vpow2.f32 v7  }
0x5a: {  	v12 =	vmul.f32 $1.442695020e+00, v12;
	v10 =	vsub.f32 v10, v5;
	(erf) = vpow2.f32 v11  }
0x5b: {  	v7 =	vimm.f32 $0.0e+00;
	v11 =	vld [tilespmem:s22+$0x10];
	(erf) = vpow2.f32 v9;
	v9 =	vsub.f32 v14, v5  }
0x5c: {  	v10 =	vmul.f32 $1.442695020e+00, v10;
	v22 =	vsub.f32 v13, v5;
	(erf) = vpow2.f32 v12  }
0x5d: {  	v17 =	vld [tilespmem:s22+$0x20];
	v13 =	vimm.f32 $0.0e+00;
	v12 =	vsub.f32 v6, v5;
	v6 =	vpop (erf);
	v9 =	vmul.f32 $1.442695020e+00, v9  }
0x5e: {  	v18 =	vld [tilespmem:s22+$0xFFFFFFC0];
	v8 =	vsub.f32 v8, v5;
	v6 =	vadd.f32 v6, v7;
	(erf) = vpow2.f32 v10  }
0x5f: {  	v10 =	vimm.f32 $0.0e+00;
	v20 =	vmul.f32 $1.442695020e+00, v12;
	v14 =	vpop (erf);
	v12 =	vimm.f32 $0.0e+00  }
0x60: {  	v19 =	vmul.f32 $1.442695020e+00, v8;
	v21 =	vsub.f32 v11, v5;
	(erf) = vpow2.f32 v9;
	v15 =	vpop (erf)  }
0x61: {  	s21 =	simm.s32 $0x80;
	s22 =	simm.s32 $0x140;
	v11 =	vimm.f32 $0.0e+00;
	v9 =	vimm.f32 $0.0e+00;
	v8 =	vimm.f32 $0.0e+00;
	v16 =	vpop (erf)  }
.LBB2_6:
0x62: {  	v23 =	vld [tilespmem:s22+$0x30];
	s21 =	sadd.s32 $0x80, s21;
	v22 =	vmul.f32 $1.442695020e+00, v22;
	v17 =	vsub.f32 v17, v5;
	(erf) = vpow2.f32 v20;
	v20 =	vpop (erf)  }
0x63: {  	v24 =	vld [tilespmem:s22+$0xFFFFFFD0];
	p0 =	slt.u32 s21, $0x2F80;
	v18 =	vsub.f32 v18, v5;
	v21 =	vmul.f32 $1.442695020e+00, v21;
	(erf) = vpow2.f32 v19;
	v19 =	vpop (erf)  }
0x64: {  	v7 =	vadd.f32 v14, v7;
	v25 =	vld [tilespmem:s22+$0xFFFFFFE0];
	v17 =	vmul.f32 $1.442695020e+00, v17;
	(erf) = vpow2.f32 v22;
	v14 =	vpop (erf)  }
0x65: {  	v11 =	vadd.f32 v15, v11;
	v22 =	vld [tilespmem:s22+$0xFFFFFFF0];
	v18 =	vmul.f32 $1.442695020e+00, v18;
	(erf) = vpow2.f32 v21;
	v15 =	vpop (erf)  }
0x66: {  	v9 =	vadd.f32 v16, v9;
	v21 =	vld [tilespmem:s22+$0x0];
	(erf) = vpow2.f32 v17;
	v13 =	vadd.f32 v15, v13  }
0x67: {  	v12 =	vadd.f32 v20, v12;
	v16 =	vld [tilespmem:s22+$0x10];
	v15 =	vsub.f32 v23, v5;
	(erf) = vpow2.f32 v18  }
.Ltmp2:
0x68: {  	v10 =	vadd.f32 v19, v10;
	v20 =	vsub.f32 v24, v5;
	v17 =	vld [tilespmem:s22+$0x20];
	(pc) =	sbr.rel @p0 .LBB2_6-.Ltmp2, $4  }
0x69: {  	v8 =	vadd.f32 v14, v8;
	v18 =	vld [tilespmem:s22+$0xFFFFFFC0];
	v19 =	vsub.f32 v25, v5;
	v26 =	vmul.f32 $1.442695020e+00, v15;
	v23 =	vpop (erf)  }
0x6a: {  	v24 =	vmul.f32 $1.442695020e+00, v20;
	v25 =	vsub.f32 v22, v5;
	v6 =	vadd.f32 v23, v6;
	v14 =	vpop (erf)  }
0x6b: {  	v20 =	vmul.f32 $1.442695020e+00, v19;
	v22 =	vsub.f32 v21, v5;
	(erf) = vpow2.f32 v26;
	v15 =	vpop (erf)  }
0x6c: {  	s22 =	sadd.s32 $0x80, s22;
	v19 =	vmul.f32 $1.442695020e+00, v25;
	v21 =	vsub.f32 v16, v5;
	(erf) = vpow2.f32 v24;
	v16 =	vpop (erf)  }
0x6d: {  	v22 =	vmul.f32 $1.442695020e+00, v22;
	v17 =	vsub.f32 v17, v5;
	(erf) = vpow2.f32 v20  }
0x6e: {  	v18 =	vsub.f32 v18, v5;
	v53 =	vmul.f32 $1.442695020e+00, v21;
	(erf) = vpow2.f32 v19  }
0x6f: {  	v17 =	vmul.f32 $1.442695020e+00, v17;
	(erf) = vpow2.f32 v22  }
0x70: {  	v54 =	vpop (erf);
	v18 =	vmul.f32 $1.442695020e+00, v18;
	(erf) = vpow2.f32 v53  }
0x71: {  	v55 =	vpop (erf);
	(erf) = vpow2.f32 v17  }
0x72: {  	v56 =	vpop (erf);
	(erf) = vpow2.f32 v18  }
0x73: {  	v57 =	vpop (erf)  }
0x74: {  	v58 =	vpop (erf)  }
0x75: {  	v59 =	vpop (erf)  }
0x76: {  	v23 =	vpop (erf)  }
0x77: {  	v24 =	vpop (erf)  }
0x78: {  	v25 =	vpop (erf)  }
0x79: {  	v26 =	vpop (erf)  }
0x7a: {  	v7 =	vadd.f32 v14, v7;
	v13 =	vadd.f32 v57, v13;
	v60 =	vpop (erf)  }
0x7b: {  	v11 =	vadd.f32 v15, v11;
	v61 =	vpop (erf)  }
0x7c: {  	v7 =	vadd.f32 v59, v7;
	v13 =	vadd.f32 v61, v13  }
0x7d: {  	v9 =	vadd.f32 v16, v9  }
0x7e: {  	v11 =	vadd.f32 v23, v11;
	v7 =	vadd.f32 v7, v13  }
0x7f: {  	v12 =	vadd.f32 v54, v12  }
0x80: {  	v9 =	vadd.f32 v24, v9;
	v7 =	vadd.f32 v11, v7  }
0x81: {  	v10 =	vadd.f32 v55, v10  }
0x82: {  	v62 =	vadd.f32 v25, v12;
	v7 =	vadd.f32 v9, v7  }
0x83: {  	v8 =	vadd.f32 v56, v8  }
0x84: {  	v63 =	vadd.f32 v26, v10;
	v7 =	vadd.f32 v62, v7;
	_ =	sdelay $0x1  }
0x85: {  	v8 =	vadd.f32 v60, v8;
	v7 =	vadd.f32 v63, v7;
	_ =	sdelay $0x1  }
0x86: {  	v6 =	vadd.f32 v58, v6;
	v7 =	vadd.f32 v8, v7;
	_ =	sdelay $0x1  }
0x87: {  	v6 =	vadd.f32 v6, v7;
	_ =	sdelay $0x1  }
0x88: {  	v7 =	vperm.xlane v6, v0;
	_ =	sdelay $0x1  }
0x89: {  	v6 =	vadd.f32 v7, v6;
	_ =	sdelay $0x1  }
0x8a: {  	v7 =	vperm.xlane v6, v1;
	_ =	sdelay $0x1  }
0x8b: {  	v6 =	vadd.f32 v7, v6;
	_ =	sdelay $0x1  }
0x8c: {  	v7 =	vperm.xlane v6, v2;
	_ =	sdelay $0x1  }
0x8d: {  	v6 =	vadd.f32 v7, v6;
	_ =	sdelay $0x1  }
0x8e: {  	v7 =	vperm.xlane v6, v3;
	_ =	sdelay $0x1  }
0x8f: {  	v6 =	vadd.f32 v7, v6;
	_ =	sdelay $0x1  }
0x90: {  	s21 =	simm.s32 $0x1;
	p0 =	por $0x1, $0x1;
	v5 =	vnsel vm0, $0x0, v5;
	v6 =	vnsel vm0, $0x0, v6  }
.LBB2_8:
0x91: {  	s23 =	simm.s32 $0x1;
	s22 =	sadd.s32 $0x1, s21  }
0x92: {  	p1 =	seq.s32 s21, $0x3;
	s29 =	sand.u32 $0x1, s21;
	s23 =	simm.s32 @!p0 $0x0  }
0x93: {  	s24 =	sadd.s32 @!p1 s21, s6;
	s25 =	sand.u32 @!p1 $0x1, s22;
	s30 =	simm.s32 @!p1 $0x400  }
0x94: {  	s31 =	sadd.s32 $0x1, s29;
	s26 =	sshll.u32 @!p1 s24, $0xC;
	s24 =	sshll.u32 @!p1 s24, $0x4  }
0x95: {  	s28 =	smul.u32 @!p1 $0xC000, s25;
	s26 =	sand.u32 @!p1 $0xFFF8000, s26;
	s24 =	sand.u32 @!p1 $0x70, s24  }
0x96: {  	s25 =	sadd.s32 @!p1 $0x1, s25;
	s23 =	smul.u32 $0xC000, s23;
	s24 =	sor.u32 @!p1 s24, s26  }
0x97: {  	s26 =	sshrl.u32 @!p1 s28, $0x2;
	s28 =	simm.s32 @!p1 $0x80;
	s24 =	sadd.s32 @!p1 s24, s7  }
0x98: {  	[tilespmem:s26], [sflag:s25] =	stream.strided.gather @!p1 [hbm4b:s24+s28], $0x3000, s30, s28, $0x38;
	[tilespmem:$0x6100] =	vst v63  }
0x99: {  	_ =	swait.ge [sflag:s31], $0x3000  }
0x9a: {  	s23 =	sshrl.u32 s23, $0x2;
	[sflag:s31] =	ssyncset.done $0x0  }
0x9b: {  	s23 =	sor.u32 $0x40, s23;
	[sflag:s31] =	ssyncadd.s32 $0xFFFFD000  }
0x9c: {  	v7 =	vld [tilespmem:s23+$0x30]  }
0x9d: {  	v9 =	vld [tilespmem:s23+$0xFFFFFFD0]  }
0x9e: {  	v11 =	vld [tilespmem:s23+$0xFFFFFFE0]  }
0x9f: {  	v16 =	vld [tilespmem:s23+$0xFFFFFFF0]  }
0xa0: {  	v14 =	vld [tilespmem:s23+$0x0]  }
0xa1: {  	v8 =	vimm.f32 $-Inf;
	v15 =	vimm.f32 $-Inf;
	v12 =	vld [tilespmem:s23+$0x10]  }
0xa2: {  	v13 =	vimm.f32 $-Inf;
	v18 =	vimm.f32 $-Inf;
	v17 =	vld [tilespmem:s23+$0x20];
	v7 =	vmax.f32 v8, v7  }
0xa3: {  	s24 =	simm.s32 $0x0;
	s25 =	sadd.s32 $0x80, s23;
	v19 =	vld [tilespmem:s23+$0xFFFFFFC0];
	v10 =	vmax.f32 v8, v9;
	v11 =	vmax.f32 v8, v11;
	v9 =	vimm.f32 $-Inf  }
.LBB2_9:
0xa4: {  	v20 =	vld [tilespmem:s25+$0x30];
	s24 =	sadd.s32 $0x80, s24;
	v8 =	vmax.f32 v8, v16  }
0xa5: {  	v21 =	vld [tilespmem:s25+$0xFFFFFFD0];
	p1 =	slt.u32 s24, $0x2F80;
	v9 =	vmax.f32 v9, v14  }
0xa6: {  	v22 =	vld [tilespmem:s25+$0xFFFFFFE0];
	v15 =	vmax.f32 v15, v12  }
.Ltmp3:
0xa7: {  	v16 =	vld [tilespmem:s25+$0xFFFFFFF0];
	v13 =	vmax.f32 v13, v17;
	(pc) =	sbr.rel @p1 .LBB2_9-.Ltmp3, $4  }
0xa8: {  	v14 =	vld [tilespmem:s25+$0x0];
	v18 =	vmax.f32 v18, v19  }
0xa9: {  	v12 =	vld [tilespmem:s25+$0x10];
	v7 =	vmax.f32 v7, v20  }
0xaa: {  	v10 =	vmax.f32 v10, v21;
	v17 =	vld [tilespmem:s25+$0x20]  }
0xab: {  	v19 =	vld [tilespmem:s25+$0xFFFFFFC0];
	v11 =	vmax.f32 v11, v22;
	s25 =	sadd.s32 $0x80, s25  }
0xac: {  	_ =	sdelay $0x3  }
0xad: {  	v18 =	vmax.f32 v18, v19  }
0xae: {  	v10 =	vmax.f32 v18, v10  }
0xaf: {  	v8 =	vmax.f32 v8, v16;
	v10 =	vmax.f32 v10, v11  }
0xb0: {  	v9 =	vmax.f32 v9, v14;
	v8 =	vmax.f32 v10, v8  }
0xb1: {  	v10 =	vmax.f32 v15, v12;
	v8 =	vmax.f32 v8, v9  }
0xb2: {  	v9 =	vmax.f32 v13, v17;
	v8 =	vmax.f32 v8, v10  }
0xb3: {  	v8 =	vmax.f32 v8, v9  }
0xb4: {  	v7 =	vmax.f32 v8, v7  }
0xb5: {  	v8 =	vperm.xlane v7, v0;
	_ =	sdelay $0x1  }
0xb6: {  	v7 =	vmax.f32 v7, v8  }
0xb7: {  	v8 =	vperm.xlane v7, v1;
	_ =	sdelay $0x1  }
0xb8: {  	v7 =	vmax.f32 v7, v8  }
0xb9: {  	v8 =	vperm.xlane v7, v2;
	_ =	sdelay $0x1  }
0xba: {  	v9 =	vld [tilespmem:s23+$0x30];
	v7 =	vmax.f32 v7, v8  }
0xbb: {  	v8 =	vperm.xlane v7, v3  }
0xbc: {  	v10 =	vld [tilespmem:s23+$0xFFFFFFD0]  }
0xbd: {  	v7 =	vmax.f32 v7, v8;
	v8 =	vld [tilespmem:s23+$0xFFFFFFE0]  }
0xbe: {  	v11 =	vld [tilespmem:s23+$0xFFFFFFF0]  }
0xbf: {  	v12 =	vld [tilespmem:s23+$0x0];
	v9 =	vsub.f32 v9, v7  }
0xc0: {  	v14 =	vld [tilespmem:s23+$0x20]  }
0xc1: {  	v13 =	vld [tilespmem:s23+$0x10];
	v10 =	vsub.f32 v10, v7;
	v9 =	vmul.f32 $1.442695020e+00, v9  }
0xc2: {  	v15 =	vld [tilespmem:s23+$0xFFFFFFC0];
	v8 =	vsub.f32 v8, v7  }
0xc3: {  	(erf) = vpow2.f32 v9;
	v9 =	vmul.f32 $1.442695020e+00, v10;
	v10 =	vsub.f32 v11, v7  }
0xc4: {  	s24 =	sadd.s32 $0x80, s23;
	v11 =	vsub.f32 v12, v7  }
0xc5: {  	v12 =	vld [tilespmem:s24+$0x30];
	v8 =	vmul.f32 $1.442695020e+00, v8;
	v10 =	vmul.f32 $1.442695020e+00, v10  }
0xc6: {  	v16 =	vld [tilespmem:s24+$0xFFFFFFD0];
	v13 =	vsub.f32 v13, v7;
	(erf) = vpow2.f32 v9;
	v9 =	vmul.f32 $1.442695020e+00, v11  }
0xc7: {  	v11 =	vsub.f32 v14, v7;
	v14 =	vsub.f32 v15, v7;
	v15 =	vld [tilespmem:s24+$0x0];
	(erf) = vpow2.f32 v8  }
0xc8: {  	v13 =	vmul.f32 $1.442695020e+00, v13;
	v8 =	vld [tilespmem:s24+$0xFFFFFFE0];
	(erf) = vpow2.f32 v10  }
0xc9: {  	v11 =	vmul.f32 $1.442695020e+00, v11;
	v10 =	vld [tilespmem:s24+$0xFFFFFFF0];
	(erf) = vpow2.f32 v9  }
0xca: {  	v14 =	vmul.f32 $1.442695020e+00, v14;
	v12 =	vsub.f32 v12, v7;
	(erf) = vpow2.f32 v13  }
0xcb: {  	v9 =	vimm.f32 $0.0e+00;
	v13 =	vld [tilespmem:s24+$0x10];
	(erf) = vpow2.f32 v11;
	v11 =	vsub.f32 v16, v7  }
0xcc: {  	v12 =	vmul.f32 $1.442695020e+00, v12;
	v24 =	vsub.f32 v15, v7;
	(erf) = vpow2.f32 v14  }
0xcd: {  	v19 =	vld [tilespmem:s24+$0x20];
	v15 =	vimm.f32 $0.0e+00;
	v14 =	vsub.f32 v8, v7;
	v8 =	vpop (erf);
	v11 =	vmul.f32 $1.442695020e+00, v11  }
0xce: {  	v20 =	vld [tilespmem:s24+$0xFFFFFFC0];
	v10 =	vsub.f32 v10, v7;
	v8 =	vadd.f32 v8, v9;
	(erf) = vpow2.f32 v12  }
0xcf: {  	v12 =	vimm.f32 $0.0e+00;
	v22 =	vmul.f32 $1.442695020e+00, v14;
	v16 =	vpop (erf);
	v14 =	vimm.f32 $0.0e+00  }
0xd0: {  	v21 =	vmul.f32 $1.442695020e+00, v10;
	v23 =	vsub.f32 v13, v7;
	(erf) = vpow2.f32 v11;
	v17 =	vpop (erf)  }
0xd1: {  	s23 =	simm.s32 $0x80;
	s24 =	sadd.s32 $0x80, s24;
	v13 =	vimm.f32 $0.0e+00;
	v11 =	vimm.f32 $0.0e+00;
	v10 =	vimm.f32 $0.0e+00;
	v18 =	vpop (erf)  }
.LBB2_11:
0xd2: {  	v25 =	vld [tilespmem:s24+$0x30];
	s23 =	sadd.s32 $0x80, s23;
	v24 =	vmul.f32 $1.442695020e+00, v24;
	v19 =	vsub.f32 v19, v7;
	(erf) = vpow2.f32 v22;
	v22 =	vpop (erf)  }
0xd3: {  	v26 =	vld [tilespmem:s24+$0xFFFFFFD0];
	p1 =	slt.u32 s23, $0x2F80;
	v20 =	vsub.f32 v20, v7;
	v23 =	vmul.f32 $1.442695020e+00, v23;
	(erf) = vpow2.f32 v21;
	v21 =	vpop (erf)  }
0xd4: {  	v9 =	vadd.f32 v16, v9;
	v27 =	vld [tilespmem:s24+$0xFFFFFFE0];
	v19 =	vmul.f32 $1.442695020e+00, v19;
	(erf) = vpow2.f32 v24;
	v16 =	vpop (erf)  }
0xd5: {  	v13 =	vadd.f32 v17, v13;
	v24 =	vld [tilespmem:s24+$0xFFFFFFF0];
	v20 =	vmul.f32 $1.442695020e+00, v20;
	(erf) = vpow2.f32 v23;
	v17 =	vpop (erf)  }
0xd6: {  	v11 =	vadd.f32 v18, v11;
	v23 =	vld [tilespmem:s24+$0x0];
	(erf) = vpow2.f32 v19;
	v15 =	vadd.f32 v17, v15  }
0xd7: {  	v14 =	vadd.f32 v22, v14;
	v18 =	vld [tilespmem:s24+$0x10];
	v17 =	vsub.f32 v25, v7;
	(erf) = vpow2.f32 v20  }
.Ltmp4:
0xd8: {  	v12 =	vadd.f32 v21, v12;
	v22 =	vsub.f32 v26, v7;
	v19 =	vld [tilespmem:s24+$0x20];
	(pc) =	sbr.rel @p1 .LBB2_11-.Ltmp4, $4  }
0xd9: {  	v10 =	vadd.f32 v16, v10;
	v20 =	vld [tilespmem:s24+$0xFFFFFFC0];
	v21 =	vsub.f32 v27, v7;
	v28 =	vmul.f32 $1.442695020e+00, v17;
	v25 =	vpop (erf)  }
0xda: {  	v26 =	vmul.f32 $1.442695020e+00, v22;
	v27 =	vsub.f32 v24, v7;
	v8 =	vadd.f32 v25, v8;
	v16 =	vpop (erf)  }
0xdb: {  	v22 =	vmul.f32 $1.442695020e+00, v21;
	v24 =	vsub.f32 v23, v7;
	(erf) = vpow2.f32 v28;
	v17 =	vpop (erf)  }
0xdc: {  	s24 =	sadd.s32 $0x80, s24;
	v21 =	vmul.f32 $1.442695020e+00, v27;
	v23 =	vsub.f32 v18, v7;
	(erf) = vpow2.f32 v26;
	v18 =	vpop (erf)  }
0xdd: {  	v24 =	vmul.f32 $1.442695020e+00, v24;
	v19 =	vsub.f32 v19, v7;
	(erf) = vpow2.f32 v22  }
0xde: {  	v20 =	vsub.f32 v20, v7;
	v52 =	vmul.f32 $1.442695020e+00, v23;
	(erf) = vpow2.f32 v21  }
0xdf: {  	v19 =	vmul.f32 $1.442695020e+00, v19;
	(erf) = vpow2.f32 v24  }
0xe0: {  	v53 =	vpop (erf);
	v20 =	vmul.f32 $1.442695020e+00, v20;
	(erf) = vpow2.f32 v52  }
0xe1: {  	v54 =	vpop (erf);
	(erf) = vpow2.f32 v19  }
0xe2: {  	v55 =	vpop (erf);
	(erf) = vpow2.f32 v20  }
0xe3: {  	v56 =	vpop (erf)  }
0xe4: {  	v57 =	vpop (erf)  }
0xe5: {  	v58 =	vpop (erf)  }
0xe6: {  	v25 =	vpop (erf)  }
0xe7: {  	v26 =	vpop (erf)  }
0xe8: {  	v27 =	vpop (erf)  }
0xe9: {  	v28 =	vpop (erf)  }
0xea: {  	v9 =	vadd.f32 v16, v9;
	v15 =	vadd.f32 v56, v15;
	v59 =	vpop (erf)  }
0xeb: {  	v13 =	vadd.f32 v17, v13;
	v60 =	vpop (erf)  }
0xec: {  	v9 =	vadd.f32 v58, v9;
	v15 =	vadd.f32 v60, v15  }
0xed: {  	v11 =	vadd.f32 v18, v11  }
0xee: {  	v13 =	vadd.f32 v25, v13;
	v9 =	vadd.f32 v9, v15  }
0xef: {  	v14 =	vadd.f32 v53, v14  }
0xf0: {  	v11 =	vadd.f32 v26, v11;
	v9 =	vadd.f32 v13, v9  }
0xf1: {  	v12 =	vadd.f32 v54, v12  }
0xf2: {  	v61 =	vadd.f32 v27, v14;
	v9 =	vadd.f32 v11, v9  }
0xf3: {  	v10 =	vadd.f32 v55, v10  }
0xf4: {  	v62 =	vadd.f32 v28, v12;
	v9 =	vadd.f32 v61, v9;
	_ =	sdelay $0x1  }
0xf5: {  	v10 =	vadd.f32 v59, v10;
	v9 =	vadd.f32 v62, v9;
	_ =	sdelay $0x1  }
0xf6: {  	v8 =	vadd.f32 v57, v8;
	v9 =	vadd.f32 v10, v9;
	_ =	sdelay $0x1  }
0xf7: {  	v8 =	vadd.f32 v8, v9;
	_ =	sdelay $0x1  }
0xf8: {  	v9 =	vperm.xlane v8, v0;
	_ =	sdelay $0x1  }
0xf9: {  	v8 =	vadd.f32 v9, v8;
	_ =	sdelay $0x1  }
0xfa: {  	v9 =	vperm.xlane v8, v1;
	_ =	sdelay $0x1  }
0xfb: {  	v8 =	vadd.f32 v9, v8;
	_ =	sdelay $0x1  }
0xfc: {  	v9 =	vperm.xlane v8, v2;
	_ =	sdelay $0x1  }
0xfd: {  	v8 =	vadd.f32 v9, v8  }
0xfe: {  	p1 =	sne.s32 s22, $0x4  }
.Ltmp5:
0xff: {  	v9 =	vperm.xlane v8, v3;
	(pc) =	sbr.rel @p1 .LBB2_8-.Ltmp5, $4  }
0x100: {  	_ = 	snop  }
0x101: {  	v63 =	vmov s21;
	v8 =	vadd.f32 v9, v8  }
0x102: {  	vm1 =	veq.s32 v63, v4  }
0x103: {  	p0 =	por !p0, !p0;
	s21 =	smov.u32 s22;
	v5 =	vsel vm1, v7, v5;
	v6 =	vsel vm1, v8, v6  }
0x104: {  	[tilespmem:$0x6000] =	vst v6  }
0x105: {  	[tilespmem:$0x6080] =	vst v5  }
0x106: {  	[hbm4b:s8+s2] =	stream.linear.scatter [tilespmem:s17], [sflag:$0x5], $0x80, $0x38;
	[tilespmem:$0x6100] =	vst v63  }
0x107: {  	s20 =	sadd.s32 $0x1, s20;
	_ =	swait.ge [sflag:s18], $0x80  }
0x108: {  	p0 =	sne.s32 s20, s10;
	[sflag:s18] =	ssyncset.done $0x0  }
.Ltmp6:
0x109: {  	[sflag:s18] =	ssyncadd.s32 $0xFFFFFF80;
	(pc) =	sbr.rel @p0 .LBB2_1-.Ltmp6, $4  }
0x10a: {  	[hbm4b:s9+s2] =	stream.linear.scatter [tilespmem:s19], [sflag:$0x5], $0x80, $0x38;
	[tilespmem:$0x6100] =	vst v63  }
0x10b: {  	_ =	swait.ge [sflag:s18], $0x80  }
0x10c: {  	[sflag:s18] =	ssyncset.done $0x0  }
0x10d: {  	[sflag:s18] =	ssyncadd.s32 $0xFFFFFF80  }
0x10e: {  	_ =	sfence.sel $0x180000  }
0x10f: {  	[bflag:$0x0] =	sbarrier.arrive $0xFFFF  }
0x110: {  	p0 =	sne.s32 s1, $0x0;
	_ =	strace $0x90000047  }
0x111: {  	s0 =	sadd.s32 @!p0 $0x100000, s0;
	[bflag:$0x2] =	sbarrier.arrive $0xFFFF  }
0x112: {  	[sflag:s0] =	ssyncadd.tile.s32 @!p0 $0x1;
	_ =	shalt  }
.Lfunc_end2:
_tile_overlayer_lowered:
.L_overlay_start_2:
0x113: {  	(tag) =	ssettag $0x2  }
0x114: {  	s0 =	rddreg [dreg:$0x0];
	s2 =	stileid.u32  }
0x115: {  	s1 =	rddreg [dreg:$0x1];
	p0 =	sne.s32 s2, $0x0  }
0x116: {  	s3 =	rddreg [dreg:$0x2];
	[bflag:$0x3] =	sbarrier.arrive $0xFFFF;
	s2 =	simm.s32 @!p0 $0x1C05  }
0x117: {  	[timem:s3], [sflag:s2] =	dma.local @!p0 [hbm:s0], s1  }
0x118: {  	s0 =	simm.s32 @!p0 $0x5  }
0x119: {  	_ =	swait.ge @!p0 [sflag:s0], s1  }
0x11a: {  	s1 =	ssub.s32 @!p0 $0x0, s1;
	[sflag:s0] =	ssyncset.done @!p0 $0x0  }
0x11b: {  	[sflag:s0] =	ssyncadd.s32 @!p0 s1  }
0x11c: {  	[bflag:$0x3] =	sbarrier.arrive $0xFFFF  }
0x11d: {  	_ =	shalt  }

</sc_bundles>
